<compile_context>
chip_gen: v7x
topology: tpu7x:2x2x1
jax: 0.10.2.dev20260603
libtpu: 0.0.44.dev20260713+nightly
codegen_flags: <defaults>
</compile_context>

<pallas_src>
import functools

import jax
import jax.numpy as jnp
from jax import lax
from jax.experimental import pallas as pl
from jax.experimental.pallas import tpu as pltpu
from jax.experimental.pallas import tpu_sc as plsc

E = 8
LOSS_COEF = 0.02 * 8
L = 16
LPT = 128
NUM_CORES = 2
NUM_SUBCORES = 16
NW = NUM_CORES * NUM_SUBCORES
T = 131072
NTILES = T // LPT
MASK_TILES = 64
NACC = 2 * E + 1

SC_TILES = 256
TC_TILES = NTILES - SC_TILES
TC_BLOCK = 128

TILES_PER_W = SC_TILES // NW
CHUNK = TILES_PER_W * LPT
STEPS = CHUNK // L
SUBSTEPS = LPT // L


def _max8(vals):
    n = list(vals)
    while len(n) > 1:
        n = [jnp.maximum(n[k], n[k + 1]) for k in range(0, len(n), 2)]
    return n[0]


def _sum8(vals):
    n = list(vals)
    while len(n) > 1:
        n = [n[k] + n[k + 1] for k in range(0, len(n), 2)]
    return n[0]


def _sc_body(gate_hbm, mask_hbm, out_hbm, chunk_v, mask_v, part_v):
    wid = lax.axis_index("c") * NUM_SUBCORES + lax.axis_index("s")
    pltpu.sync_copy(gate_hbm.at[pl.ds(wid * TILES_PER_W, TILES_PER_W)], chunk_v)
    pltpu.sync_copy(mask_hbm, mask_v)
    tile0 = wid * TILES_PER_W

    zero_f = jnp.zeros((L,), jnp.float32)
    one_f = jnp.full((L,), 1.0, jnp.float32)
    two_f = jnp.full((L,), 2.0, jnp.float32)
    neg_big = jnp.full((L,), -3.0e38, jnp.float32)

    def step(i, accs):
        jj = i // SUBSTEPS
        s0 = (i % SUBSTEPS) * L
        x = [chunk_v[jj, e, pl.ds(s0, L)] for e in range(E)]
        u = lax.rem(tile0 + jj, MASK_TILES)
        mrow = lax.rem(u, 16) * 4 + u // 16
        mf = mask_v[mrow, pl.ds(s0, L)].astype(jnp.float32)
        sm = [jnp.exp(x[e]) for e in range(E)]
        den = _sum8(sm)
        w = mf / den
        m1 = _max8(x)
        match = [x[e] == m1 for e in range(E)]
        nmax = _sum8([jnp.where(match[e], one_f, zero_f) for e in range(E)])
        m2 = _max8([jnp.where(match[e], neg_big, x[e]) for e in range(E)])
        thr = jnp.where(nmax >= two_f, m1, m2)
        new = []
        for e in range(E):
            new.append(accs[e] + jnp.where(x[e] >= thr, mf, zero_f))
        for e in range(E):
            new.append(accs[E + e] + sm[e] * w)
        new.append(accs[2 * E] + mf)
        return tuple(new)

    init = tuple(jnp.zeros((L,), jnp.float32) for _ in range(NACC))
    accs = lax.fori_loop(0, STEPS, step, init)
    for j in range(NACC):
        part_v[j, :] = accs[j]
    pltpu.sync_copy(part_v, out_hbm.at[wid])


_sc_partials = functools.partial(
    pl.kernel,
    out_type=jax.ShapeDtypeStruct((NW, NACC, L), jnp.float32),
    mesh=plsc.VectorSubcoreMesh(
        core_axis_name="c", subcore_axis_name="s",
        num_cores=NUM_CORES, num_subcores=NUM_SUBCORES),
    compiler_params=pltpu.CompilerParams(needs_layout_passes=False),
    scratch_types=[
        pltpu.VMEM((TILES_PER_W, E, LPT), jnp.float32),
        pltpu.VMEM((MASK_TILES, LPT), jnp.int32),
        pltpu.VMEM((NACC, L), jnp.float32),
    ],
)(_sc_body)


def _tc_body(x_ref, mask_ref, o_ref, mprep_ref):
    b = pl.program_id(0)

    @pl.when(b == 0)
    def _():
        for u in range(MASK_TILES):
            row = mask_ref[(u % 16) * 4 + u // 16, :].astype(jnp.float32)
            mprep_ref[u, :] = row
            mprep_ref[u + MASK_TILES, :] = row

    x = x_ref[...]
    mf = mprep_ref[...].reshape(TC_BLOCK, 1, LPT)
    sm = jnp.exp(x)
    den = jnp.sum(sm, axis=1, keepdims=True)
    w = mf / den
    m1 = jnp.max(x, axis=1, keepdims=True)
    match = x == m1
    nmax = jnp.sum(jnp.where(match, 1.0, 0.0), axis=1, keepdims=True)
    m2 = jnp.max(jnp.where(match, -3.0e38, x), axis=1, keepdims=True)
    thr = jnp.where(nmax >= 2.0, m1, m2)
    ind = x >= thr
    cnt = jnp.sum(jnp.where(ind, mf, 0.0), axis=0)
    prob = jnp.sum(sm * w, axis=0)
    msum = jnp.sum(mf, axis=0)
    acc = jnp.concatenate([cnt, prob, msum], axis=0)

    @pl.when(b == 0)
    def _():
        o_ref[...] = acc

    @pl.when(b > 0)
    def _():
        o_ref[...] += acc


_tc_partials = pl.pallas_call(
    _tc_body,
    grid=(TC_TILES // TC_BLOCK,),
    in_specs=[
        pl.BlockSpec((TC_BLOCK, E, LPT),
                     lambda b: (SC_TILES // TC_BLOCK + b, 0, 0)),
        pl.BlockSpec((MASK_TILES, LPT), lambda b: (0, 0)),
    ],
    out_specs=pl.BlockSpec((NACC, LPT), lambda b: (0, 0)),
    out_shape=jax.ShapeDtypeStruct((NACC, LPT), jnp.float32),
    scratch_shapes=[pltpu.VMEM((TC_BLOCK, LPT), jnp.float32)],
)


def _fin_body(sc_ref, tc_ref, o_ref):
    s = jnp.sum(sc_ref[...], axis=0)
    tot = (jnp.sum(s, axis=1, keepdims=True)
           + jnp.sum(tc_ref[...], axis=1, keepdims=True))
    c = tot[0:E, :]
    p = tot[E:2 * E, :]
    m = tot[2 * E:, :]
    o_ref[...] = LOSS_COEF * jnp.sum(c * p, keepdims=True) / (m * m)


_finalize = pl.pallas_call(
    _fin_body,
    out_shape=jax.ShapeDtypeStruct((1, 1), jnp.float32),
)


def kernel(gate_logits, attention_mask):
    gate3d = gate_logits.T.reshape(E, NTILES, LPT).transpose(1, 0, 2)
    mask2d = (attention_mask.reshape(4, 16, LPT)
              .transpose(1, 0, 2).reshape(MASK_TILES, LPT))
    sc_parts = _sc_partials(gate3d, mask2d)
    tc_parts = _tc_partials(gate3d, mask2d)
    out = _finalize(sc_parts, tc_parts)
    return out[0, 0]

# --- scband reference (transcript-rebuilt; emitter-appended) ---
"""Pipeline reference for scband-mixtral-router-loss-72353019068891 (READ-ONLY COPY).

The authoritative reference and input builder live on the scoring server;
editing this copy changes nothing except your own understanding.
"""

import jax, jax.numpy as jnp
import numpy as np

NUM_EXPERTS = 8
TOP_K = 2
AUX_LOSS_COEF = 0.02
NUM_TOKENS = 131072  # 16 layers * 4 batch * 2048 seq
BATCH = 4
SEQ = 2048


def setup_inputs(seed: int = 0) -> dict:
    key = jax.random.key(seed)
    k1, k2 = jax.random.split(key)
    gate_logits = jax.random.normal(k1, (NUM_TOKENS, NUM_EXPERTS), dtype=jnp.float32)
    attention_mask = jax.random.randint(k2, (BATCH, SEQ), 0, 2, dtype=jnp.int32)
    return {"gate_logits": gate_logits, "attention_mask": attention_mask}


def reference(gate_logits, attention_mask):
    routing_weights = jax.nn.softmax(gate_logits, axis=-1)
    _, selected_experts = jax.lax.top_k(routing_weights, TOP_K)
    expert_mask = jax.nn.one_hot(selected_experts, NUM_EXPERTS, dtype=jnp.float32)  # [T, top_k, E]
    batch_size, sequence_length = attention_mask.shape
    num_hidden_layers = routing_weights.shape[0] // (batch_size * sequence_length)
    expert_attention_mask = jnp.broadcast_to(
        attention_mask[None, :, :, None, None],
        (num_hidden_layers, batch_size, sequence_length, TOP_K, NUM_EXPERTS),
    ).reshape(-1, TOP_K, NUM_EXPERTS).astype(jnp.float32)
    tokens_per_expert = jnp.sum(expert_mask * expert_attention_mask, axis=0) / jnp.sum(expert_attention_mask, axis=0)
    router_per_expert_attention_mask = jnp.broadcast_to(
        attention_mask[None, :, :, None],
        (num_hidden_layers, batch_size, sequence_length, NUM_EXPERTS),
    ).reshape(-1, NUM_EXPERTS).astype(jnp.float32)
    router_prob_per_expert = jnp.sum(routing_weights * router_per_expert_attention_mask, axis=0) / jnp.sum(router_per_expert_attention_mask, axis=0)
    overall_loss = jnp.sum(tokens_per_expert * router_prob_per_expert[None, :])
    return AUX_LOSS_COEF * overall_loss * NUM_EXPERTS

if __name__ == "__main__":
    import jax
    _d = setup_inputs()
    print(jax.jit(kernel)(*tuple(_d.values())))

</pallas_src>

<mosaic_0001>
#map = affine_map<(d0, d1) -> (0, 0, 0)>
#map1 = affine_map<(d0, d1) -> (0, 0)>
module attributes {stable_mosaic.version = 14 : i64} {
  func.func @_sc_body(%arg0: i32, %arg1: i32, %arg2: memref<1024x8x128xf32, #tpu.memory_space<hbm>>, %arg3: memref<64x128xi32, #tpu.memory_space<hbm>>, %arg4: memref<32x17x16xf32, #tpu.memory_space<hbm>>, %arg5: memref<8x8x128xf32, #tpu.memory_space<vmem>>, %arg6: memref<64x128xi32, #tpu.memory_space<vmem>>, %arg7: memref<17x16xf32, #tpu.memory_space<vmem>>) attributes {dimension_semantics = [#tpu.dimension_semantics<core_parallel>, #tpu.dimension_semantics<subcore_parallel>], iteration_bounds = array<i64: 2, 16>, scalar_prefetch = 0 : i64, scratch_operands = 3 : i64, tpu.core_type = #tpu.core_type<sc_vector_subcore>, window_params = [{transform_indices = #map}, {transform_indices = #map1}, {transform_indices = #map}]} {
    %mul3A = arith.constant 16 : i32
    %mul3A_0 = arith.muli %arg0, %mul3A : i32
    %add3A = arith.addi %mul3A_0, %arg1 : i32
    %mul3A_1 = arith.constant 8 : i32
    %mul3A_2 = arith.muli %add3A, %mul3A_1 : i32
    "tpu.region"() ({
      %run_scoped3A = tpu.sem_alloc : memref<!tpu.dma_semaphore, #tpu.memory_space<semaphore_mem>>
      %dma_start3A = arith.constant 0 : i32
      %dma_start3A_118 = arith.constant 0 : i32
      %dma_start3A_119 = tpu.memref_slice %arg2[%mul3A_2, %dma_start3A, %dma_start3A_118] : memref<1024x8x128xf32, #tpu.memory_space<hbm>> -> memref<8x8x128xf32, #tpu.memory_space<hbm>>
      %dma_start3A_120 = arith.constant 0 : i32
      %dma_start3A_121 = arith.constant 0 : i32
      %dma_start3A_122 = tpu.memref_slice %arg2[%mul3A_2, %dma_start3A_120, %dma_start3A_121] : memref<1024x8x128xf32, #tpu.memory_space<hbm>> -> memref<8x8x128xf32, #tpu.memory_space<hbm>>
      tpu.enqueue_dma source(%dma_start3A_122 : memref<8x8x128xf32, #tpu.memory_space<hbm>>) target(%arg5 : memref<8x8x128xf32, #tpu.memory_space<vmem>>) target_semaphore(%run_scoped3A : memref<!tpu.dma_semaphore, #tpu.memory_space<semaphore_mem>>)
      %dma_wait3A = arith.constant 0 : i32
      %dma_wait3A_123 = arith.constant 0 : i32
      %dma_wait3A_124 = tpu.memref_slice %arg2[%mul3A_2, %dma_wait3A, %dma_wait3A_123] : memref<1024x8x128xf32, #tpu.memory_space<hbm>> -> memref<8x8x128xf32, #tpu.memory_space<hbm>>
      %dma_wait3A_125 = arith.constant 0 : i32
      %dma_wait3A_126 = arith.constant 0 : i32
      %dma_wait3A_127 = tpu.memref_slice %arg2[%mul3A_2, %dma_wait3A_125, %dma_wait3A_126] : memref<1024x8x128xf32, #tpu.memory_space<hbm>> -> memref<8x8x128xf32, #tpu.memory_space<hbm>>
      tpu.wait_dma2 semaphore(%run_scoped3A : memref<!tpu.dma_semaphore, #tpu.memory_space<semaphore_mem>>) src(%dma_wait3A_127 : memref<8x8x128xf32, #tpu.memory_space<hbm>>) dst(%arg5 : memref<8x8x128xf32, #tpu.memory_space<vmem>>)
      tpu.yield
    }) : () -> ()
    "tpu.region"() ({
      %run_scoped3A = tpu.sem_alloc : memref<!tpu.dma_semaphore, #tpu.memory_space<semaphore_mem>>
      tpu.enqueue_dma source(%arg3 : memref<64x128xi32, #tpu.memory_space<hbm>>) target(%arg6 : memref<64x128xi32, #tpu.memory_space<vmem>>) target_semaphore(%run_scoped3A : memref<!tpu.dma_semaphore, #tpu.memory_space<semaphore_mem>>)
      tpu.wait_dma2 semaphore(%run_scoped3A : memref<!tpu.dma_semaphore, #tpu.memory_space<semaphore_mem>>) src(%arg3 : memref<64x128xi32, #tpu.memory_space<hbm>>) dst(%arg6 : memref<64x128xi32, #tpu.memory_space<vmem>>)
      tpu.yield
    }) : () -> ()
    %mul3A_3 = arith.constant 8 : i32
    %mul3A_4 = arith.muli %add3A, %mul3A_3 : i32
    %broadcast_in_dim3A = arith.constant 0.000000e+00 : f32
    %broadcast_in_dim3A_5 = vector.broadcast %broadcast_in_dim3A : f32 to vector<16xf32>
    %broadcast_in_dim3A_6 = arith.constant 1.000000e+00 : f32
    %broadcast_in_dim3A_7 = vector.broadcast %broadcast_in_dim3A_6 : f32 to vector<16xf32>
    %broadcast_in_dim3A_8 = arith.constant 2.000000e+00 : f32
    %broadcast_in_dim3A_9 = vector.broadcast %broadcast_in_dim3A_8 : f32 to vector<16xf32>
    %broadcast_in_dim3A_10 = arith.constant -3.000000e+38 : f32
    %broadcast_in_dim3A_11 = vector.broadcast %broadcast_in_dim3A_10 : f32 to vector<16xf32>
    %broadcast_in_dim3A_12 = arith.constant 0.000000e+00 : f32
    %broadcast_in_dim3A_13 = vector.broadcast %broadcast_in_dim3A_12 : f32 to vector<16xf32>
    %broadcast_in_dim3A_14 = arith.constant 0.000000e+00 : f32
    %broadcast_in_dim3A_15 = vector.broadcast %broadcast_in_dim3A_14 : f32 to vector<16xf32>
    %broadcast_in_dim3A_16 = arith.constant 0.000000e+00 : f32
    %broadcast_in_dim3A_17 = vector.broadcast %broadcast_in_dim3A_16 : f32 to vector<16xf32>
    %broadcast_in_dim3A_18 = arith.constant 0.000000e+00 : f32
    %broadcast_in_dim3A_19 = vector.broadcast %broadcast_in_dim3A_18 : f32 to vector<16xf32>
    %broadcast_in_dim3A_20 = arith.constant 0.000000e+00 : f32
    %broadcast_in_dim3A_21 = vector.broadcast %broadcast_in_dim3A_20 : f32 to vector<16xf32>
    %broadcast_in_dim3A_22 = arith.constant 0.000000e+00 : f32
    %broadcast_in_dim3A_23 = vector.broadcast %broadcast_in_dim3A_22 : f32 to vector<16xf32>
    %broadcast_in_dim3A_24 = arith.constant 0.000000e+00 : f32
    %broadcast_in_dim3A_25 = vector.broadcast %broadcast_in_dim3A_24 : f32 to vector<16xf32>
    %broadcast_in_dim3A_26 = arith.constant 0.000000e+00 : f32
    %broadcast_in_dim3A_27 = vector.broadcast %broadcast_in_dim3A_26 : f32 to vector<16xf32>
    %broadcast_in_dim3A_28 = arith.constant 0.000000e+00 : f32
    %broadcast_in_dim3A_29 = vector.broadcast %broadcast_in_dim3A_28 : f32 to vector<16xf32>
    %broadcast_in_dim3A_30 = arith.constant 0.000000e+00 : f32
    %broadcast_in_dim3A_31 = vector.broadcast %broadcast_in_dim3A_30 : f32 to vector<16xf32>
    %broadcast_in_dim3A_32 = arith.constant 0.000000e+00 : f32
    %broadcast_in_dim3A_33 = vector.broadcast %broadcast_in_dim3A_32 : f32 to vector<16xf32>
    %broadcast_in_dim3A_34 = arith.constant 0.000000e+00 : f32
    %broadcast_in_dim3A_35 = vector.broadcast %broadcast_in_dim3A_34 : f32 to vector<16xf32>
    %broadcast_in_dim3A_36 = arith.constant 0.000000e+00 : f32
    %broadcast_in_dim3A_37 = vector.broadcast %broadcast_in_dim3A_36 : f32 to vector<16xf32>
    %broadcast_in_dim3A_38 = arith.constant 0.000000e+00 : f32
    %broadcast_in_dim3A_39 = vector.broadcast %broadcast_in_dim3A_38 : f32 to vector<16xf32>
    %broadcast_in_dim3A_40 = arith.constant 0.000000e+00 : f32
    %broadcast_in_dim3A_41 = vector.broadcast %broadcast_in_dim3A_40 : f32 to vector<16xf32>
    %broadcast_in_dim3A_42 = arith.constant 0.000000e+00 : f32
    %broadcast_in_dim3A_43 = vector.broadcast %broadcast_in_dim3A_42 : f32 to vector<16xf32>
    %broadcast_in_dim3A_44 = arith.constant 0.000000e+00 : f32
    %broadcast_in_dim3A_45 = vector.broadcast %broadcast_in_dim3A_44 : f32 to vector<16xf32>
    %scan3A = arith.constant 0 : i32
    %scan3A_46 = arith.constant 64 : i32
    %scan3A_47 = arith.addi %scan3A, %scan3A_46 : i32
    %scan3A_48 = arith.constant 1 : i32
    %scan3A_49:17 = scf.for %scan3A_118 = %scan3A to %scan3A_47 step %scan3A_48 iter_args(%scan3A_119 = %broadcast_in_dim3A_13, %scan3A_120 = %broadcast_in_dim3A_15, %scan3A_121 = %broadcast_in_dim3A_17, %scan3A_122 = %broadcast_in_dim3A_19, %scan3A_123 = %broadcast_in_dim3A_21, %scan3A_124 = %broadcast_in_dim3A_23, %scan3A_125 = %broadcast_in_dim3A_25, %scan3A_126 = %broadcast_in_dim3A_27, %scan3A_127 = %broadcast_in_dim3A_29, %scan3A_128 = %broadcast_in_dim3A_31, %scan3A_129 = %broadcast_in_dim3A_33, %scan3A_130 = %broadcast_in_dim3A_35, %scan3A_131 = %broadcast_in_dim3A_37, %scan3A_132 = %broadcast_in_dim3A_39, %scan3A_133 = %broadcast_in_dim3A_41, %scan3A_134 = %broadcast_in_dim3A_43, %scan3A_135 = %broadcast_in_dim3A_45) -> (vector<16xf32>, vector<16xf32>, vector<16xf32>, vector<16xf32>, vector<16xf32>, vector<16xf32>, vector<16xf32>, vector<16xf32>, vector<16xf32>, vector<16xf32>, vector<16xf32>, vector<16xf32>, vector<16xf32>, vector<16xf32>, vector<16xf32>, vector<16xf32>, vector<16xf32>)  : i32 {
      %jit3A = arith.constant 8 : i32
      %div3A = arith.divsi %scan3A_118, %jit3A : i32
      %sign3A = arith.constant 0 : i32
      %sign3A_136 = arith.cmpi sgt, %scan3A_118, %sign3A : i32
      %sign3A_137 = arith.extui %sign3A_136 : i1 to i32
      %sign3A_138 = arith.constant 0 : i32
      %sign3A_139 = arith.cmpi slt, %scan3A_118, %sign3A_138 : i32
      %sign3A_140 = arith.extui %sign3A_139 : i1 to i32
      %sign3A_141 = arith.subi %sign3A_137, %sign3A_140 : i32
      %sign3A_142 = arith.constant 0 : i32
      %sign3A_143 = arith.cmpi sgt, %jit3A, %sign3A_142 : i32
      %sign3A_144 = arith.extui %sign3A_143 : i1 to i32
      %sign3A_145 = arith.constant 0 : i32
      %sign3A_146 = arith.cmpi slt, %jit3A, %sign3A_145 : i32
      %sign3A_147 = arith.extui %sign3A_146 : i1 to i32
      %sign3A_148 = arith.subi %sign3A_144, %sign3A_147 : i32
      %ne3A = arith.cmpi ne, %sign3A_141, %sign3A_148 : i32
      %rem3A = arith.remsi %scan3A_118, %jit3A : i32
      %ne3A_149 = arith.constant 0 : i32
      %ne3A_150 = arith.cmpi ne, %rem3A, %ne3A_149 : i32
      %and3A = arith.andi %ne3A, %ne3A_150 : i1
      %sub3A = arith.constant 1 : i32
      %sub3A_151 = arith.subi %div3A, %sub3A : i32
      %select_n3A = arith.select %and3A, %sub3A_151, %div3A : i32
      %jit3A_152 = arith.constant 8 : i32
      %eq3A = arith.constant 0 : i32
      %eq3A_153 = arith.cmpi eq, %jit3A_152, %eq3A : i32
      %jit3A_154 = arith.constant 1 : i32
      %select_n3A_155 = arith.select %eq3A_153, %jit3A_154, %jit3A_152 : i32
      %rem3A_156 = arith.remsi %scan3A_118, %select_n3A_155 : i32
      %ne3A_157 = arith.constant 0 : i32
      %ne3A_158 = arith.cmpi ne, %rem3A_156, %ne3A_157 : i32
      %lt3A = arith.constant 0 : i32
      %lt3A_159 = arith.cmpi slt, %rem3A_156, %lt3A : i32
      %lt3A_160 = arith.constant 0 : i32
      %lt3A_161 = arith.cmpi slt, %select_n3A_155, %lt3A_160 : i32
      %ne3A_162 = arith.xori %lt3A_159, %lt3A_161 : i1
      %and3A_163 = arith.andi %ne3A_162, %ne3A_158 : i1
      %add3A_164 = arith.addi %rem3A_156, %select_n3A_155 : i32
      %select_n3A_165 = arith.select %and3A_163, %add3A_164, %rem3A_156 : i32
      %mul3A_166 = arith.constant 16 : i32
      %mul3A_167 = arith.muli %select_n3A_165, %mul3A_166 : i32
      %get3A = arith.constant 0 : i32
      %get3A_168 = arith.index_cast %select_n3A : i32 to index
      %get3A_169 = arith.index_cast %get3A : i32 to index
      %get3A_170 = arith.index_cast %mul3A_167 : i32 to index
      %get3A_171 = tpu.vector_load %arg5[%get3A_168, %get3A_169, %get3A_170] {strides = array<i32>} : memref<8x8x128xf32, #tpu.memory_space<vmem>>, vector<16xf32>,
      %get3A_172 = arith.constant 1 : i32
      %get3A_173 = arith.index_cast %select_n3A : i32 to index
      %get3A_174 = arith.index_cast %get3A_172 : i32 to index
      %get3A_175 = arith.index_cast %mul3A_167 : i32 to index
      %get3A_176 = tpu.vector_load %arg5[%get3A_173, %get3A_174, %get3A_175] {strides = array<i32>} : memref<8x8x128xf32, #tpu.memory_space<vmem>>, vector<16xf32>,
      %get3A_177 = arith.constant 2 : i32
      %get3A_178 = arith.index_cast %select_n3A : i32 to index
      %get3A_179 = arith.index_cast %get3A_177 : i32 to index
      %get3A_180 = arith.index_cast %mul3A_167 : i32 to index
      %get3A_181 = tpu.vector_load %arg5[%get3A_178, %get3A_179, %get3A_180] {strides = array<i32>} : memref<8x8x128xf32, #tpu.memory_space<vmem>>, vector<16xf32>,
      %get3A_182 = arith.constant 3 : i32
      %get3A_183 = arith.index_cast %select_n3A : i32 to index
      %get3A_184 = arith.index_cast %get3A_182 : i32 to index
      %get3A_185 = arith.index_cast %mul3A_167 : i32 to index
      %get3A_186 = tpu.vector_load %arg5[%get3A_183, %get3A_184, %get3A_185] {strides = array<i32>} : memref<8x8x128xf32, #tpu.memory_space<vmem>>, vector<16xf32>,
      %get3A_187 = arith.constant 4 : i32
      %get3A_188 = arith.index_cast %select_n3A : i32 to index
      %get3A_189 = arith.index_cast %get3A_187 : i32 to index
      %get3A_190 = arith.index_cast %mul3A_167 : i32 to index
      %get3A_191 = tpu.vector_load %arg5[%get3A_188, %get3A_189, %get3A_190] {strides = array<i32>} : memref<8x8x128xf32, #tpu.memory_space<vmem>>, vector<16xf32>,
      %get3A_192 = arith.constant 5 : i32
      %get3A_193 = arith.index_cast %select_n3A : i32 to index
      %get3A_194 = arith.index_cast %get3A_192 : i32 to index
      %get3A_195 = arith.index_cast %mul3A_167 : i32 to index
      %get3A_196 = tpu.vector_load %arg5[%get3A_193, %get3A_194, %get3A_195] {strides = array<i32>} : memref<8x8x128xf32, #tpu.memory_space<vmem>>, vector<16xf32>,
      %get3A_197 = arith.constant 6 : i32
      %get3A_198 = arith.index_cast %select_n3A : i32 to index
      %get3A_199 = arith.index_cast %get3A_197 : i32 to index
      %get3A_200 = arith.index_cast %mul3A_167 : i32 to index
      %get3A_201 = tpu.vector_load %arg5[%get3A_198, %get3A_199, %get3A_200] {strides = array<i32>} : memref<8x8x128xf32, #tpu.memory_space<vmem>>, vector<16xf32>,
      %get3A_202 = arith.constant 7 : i32
      %get3A_203 = arith.index_cast %select_n3A : i32 to index
      %get3A_204 = arith.index_cast %get3A_202 : i32 to index
      %get3A_205 = arith.index_cast %mul3A_167 : i32 to index
      %get3A_206 = tpu.vector_load %arg5[%get3A_203, %get3A_204, %get3A_205] {strides = array<i32>} : memref<8x8x128xf32, #tpu.memory_space<vmem>>, vector<16xf32>,
      %add3A_207 = arith.addi %mul3A_4, %select_n3A : i32
      %rem3A_208 = arith.constant 64 : i32
      %rem3A_209 = arith.remsi %add3A_207, %rem3A_208 : i32
      %rem3A_210 = arith.constant 16 : i32
      %rem3A_211 = arith.remsi %rem3A_209, %rem3A_210 : i32
      %mul3A_212 = arith.constant 4 : i32
      %mul3A_213 = arith.muli %rem3A_211, %mul3A_212 : i32
      %jit3A_214 = arith.constant 16 : i32
      %div3A_215 = arith.divsi %rem3A_209, %jit3A_214 : i32
      %sign3A_216 = arith.constant 0 : i32
      %sign3A_217 = arith.cmpi sgt, %rem3A_209, %sign3A_216 : i32
      %sign3A_218 = arith.extui %sign3A_217 : i1 to i32
      %sign3A_219 = arith.constant 0 : i32
      %sign3A_220 = arith.cmpi slt, %rem3A_209, %sign3A_219 : i32
      %sign3A_221 = arith.extui %sign3A_220 : i1 to i32
      %sign3A_222 = arith.subi %sign3A_218, %sign3A_221 : i32
      %sign3A_223 = arith.constant 0 : i32
      %sign3A_224 = arith.cmpi sgt, %jit3A_214, %sign3A_223 : i32
      %sign3A_225 = arith.extui %sign3A_224 : i1 to i32
      %sign3A_226 = arith.constant 0 : i32
      %sign3A_227 = arith.cmpi slt, %jit3A_214, %sign3A_226 : i32
      %sign3A_228 = arith.extui %sign3A_227 : i1 to i32
      %sign3A_229 = arith.subi %sign3A_225, %sign3A_228 : i32
      %ne3A_230 = arith.cmpi ne, %sign3A_222, %sign3A_229 : i32
      %rem3A_231 = arith.remsi %rem3A_209, %jit3A_214 : i32
      %ne3A_232 = arith.constant 0 : i32
      %ne3A_233 = arith.cmpi ne, %rem3A_231, %ne3A_232 : i32
      %and3A_234 = arith.andi %ne3A_230, %ne3A_233 : i1
      %sub3A_235 = arith.constant 1 : i32
      %sub3A_236 = arith.subi %div3A_215, %sub3A_235 : i32
      %select_n3A_237 = arith.select %and3A_234, %sub3A_236, %div3A_215 : i32
      %add3A_238 = arith.addi %mul3A_213, %select_n3A_237 : i32
      %get3A_239 = arith.index_cast %add3A_238 : i32 to index
      %get3A_240 = arith.index_cast %mul3A_167 : i32 to index
      %get3A_241 = tpu.vector_load %arg6[%get3A_239, %get3A_240] {strides = array<i32>} : memref<64x128xi32, #tpu.memory_space<vmem>>, vector<16xi32>,
      %convert_element_type3A = arith.sitofp %get3A_241 : vector<16xi32> to vector<16xf32>
      %exp3A = math.exp %get3A_171 : vector<16xf32>
      %exp3A_242 = math.exp %get3A_176 : vector<16xf32>
      %exp3A_243 = math.exp %get3A_181 : vector<16xf32>
      %exp3A_244 = math.exp %get3A_186 : vector<16xf32>
      %exp3A_245 = math.exp %get3A_191 : vector<16xf32>
      %exp3A_246 = math.exp %get3A_196 : vector<16xf32>
      %exp3A_247 = math.exp %get3A_201 : vector<16xf32>
      %exp3A_248 = math.exp %get3A_206 : vector<16xf32>
      %add3A_249 = arith.addf %exp3A, %exp3A_242 : vector<16xf32>
      %add3A_250 = arith.addf %exp3A_243, %exp3A_244 : vector<16xf32>
      %add3A_251 = arith.addf %exp3A_245, %exp3A_246 : vector<16xf32>
      %add3A_252 = arith.addf %exp3A_247, %exp3A_248 : vector<16xf32>
      %add3A_253 = arith.addf %add3A_249, %add3A_250 : vector<16xf32>
      %add3A_254 = arith.addf %add3A_251, %add3A_252 : vector<16xf32>
      %add3A_255 = arith.addf %add3A_253, %add3A_254 : vector<16xf32>
      %div3A_256 = arith.divf %convert_element_type3A, %add3A_255 : vector<16xf32>
      %max3A = arith.maximumf %get3A_171, %get3A_176 : vector<16xf32>
      %max3A_257 = arith.maximumf %get3A_181, %get3A_186 : vector<16xf32>
      %max3A_258 = arith.maximumf %get3A_191, %get3A_196 : vector<16xf32>
      %max3A_259 = arith.maximumf %get3A_201, %get3A_206 : vector<16xf32>
      %max3A_260 = arith.maximumf %max3A, %max3A_257 : vector<16xf32>
      %max3A_261 = arith.maximumf %max3A_258, %max3A_259 : vector<16xf32>
      %max3A_262 = arith.maximumf %max3A_260, %max3A_261 : vector<16xf32>
      %eq3A_263 = arith.cmpf oeq, %get3A_171, %max3A_262 : vector<16xf32>
      %eq3A_264 = arith.cmpf oeq, %get3A_176, %max3A_262 : vector<16xf32>
      %eq3A_265 = arith.cmpf oeq, %get3A_181, %max3A_262 : vector<16xf32>
      %eq3A_266 = arith.cmpf oeq, %get3A_186, %max3A_262 : vector<16xf32>
      %eq3A_267 = arith.cmpf oeq, %get3A_191, %max3A_262 : vector<16xf32>
      %eq3A_268 = arith.cmpf oeq, %get3A_196, %max3A_262 : vector<16xf32>
      %eq3A_269 = arith.cmpf oeq, %get3A_201, %max3A_262 : vector<16xf32>
      %eq3A_270 = arith.cmpf oeq, %get3A_206, %max3A_262 : vector<16xf32>
      %select_n3A_271 = arith.select %eq3A_263, %broadcast_in_dim3A_7, %broadcast_in_dim3A_5 : vector<16xi1>, vector<16xf32>
      %select_n3A_272 = arith.select %eq3A_264, %broadcast_in_dim3A_7, %broadcast_in_dim3A_5 : vector<16xi1>, vector<16xf32>
      %select_n3A_273 = arith.select %eq3A_265, %broadcast_in_dim3A_7, %broadcast_in_dim3A_5 : vector<16xi1>, vector<16xf32>
      %select_n3A_274 = arith.select %eq3A_266, %broadcast_in_dim3A_7, %broadcast_in_dim3A_5 : vector<16xi1>, vector<16xf32>
      %select_n3A_275 = arith.select %eq3A_267, %broadcast_in_dim3A_7, %broadcast_in_dim3A_5 : vector<16xi1>, vector<16xf32>
      %select_n3A_276 = arith.select %eq3A_268, %broadcast_in_dim3A_7, %broadcast_in_dim3A_5 : vector<16xi1>, vector<16xf32>
      %select_n3A_277 = arith.select %eq3A_269, %broadcast_in_dim3A_7, %broadcast_in_dim3A_5 : vector<16xi1>, vector<16xf32>
      %select_n3A_278 = arith.select %eq3A_270, %broadcast_in_dim3A_7, %broadcast_in_dim3A_5 : vector<16xi1>, vector<16xf32>
      %add3A_279 = arith.addf %select_n3A_271, %select_n3A_272 : vector<16xf32>
      %add3A_280 = arith.addf %select_n3A_273, %select_n3A_274 : vector<16xf32>
      %add3A_281 = arith.addf %select_n3A_275, %select_n3A_276 : vector<16xf32>
      %add3A_282 = arith.addf %select_n3A_277, %select_n3A_278 : vector<16xf32>
      %add3A_283 = arith.addf %add3A_279, %add3A_280 : vector<16xf32>
      %add3A_284 = arith.addf %add3A_281, %add3A_282 : vector<16xf32>
      %add3A_285 = arith.addf %add3A_283, %add3A_284 : vector<16xf32>
      %select_n3A_286 = arith.select %eq3A_263, %broadcast_in_dim3A_11, %get3A_171 : vector<16xi1>, vector<16xf32>
      %select_n3A_287 = arith.select %eq3A_264, %broadcast_in_dim3A_11, %get3A_176 : vector<16xi1>, vector<16xf32>
      %select_n3A_288 = arith.select %eq3A_265, %broadcast_in_dim3A_11, %get3A_181 : vector<16xi1>, vector<16xf32>
      %select_n3A_289 = arith.select %eq3A_266, %broadcast_in_dim3A_11, %get3A_186 : vector<16xi1>, vector<16xf32>
      %select_n3A_290 = arith.select %eq3A_267, %broadcast_in_dim3A_11, %get3A_191 : vector<16xi1>, vector<16xf32>
      %select_n3A_291 = arith.select %eq3A_268, %broadcast_in_dim3A_11, %get3A_196 : vector<16xi1>, vector<16xf32>
      %select_n3A_292 = arith.select %eq3A_269, %broadcast_in_dim3A_11, %get3A_201 : vector<16xi1>, vector<16xf32>
      %select_n3A_293 = arith.select %eq3A_270, %broadcast_in_dim3A_11, %get3A_206 : vector<16xi1>, vector<16xf32>
      %max3A_294 = arith.maximumf %select_n3A_286, %select_n3A_287 : vector<16xf32>
      %max3A_295 = arith.maximumf %select_n3A_288, %select_n3A_289 : vector<16xf32>
      %max3A_296 = arith.maximumf %select_n3A_290, %select_n3A_291 : vector<16xf32>
      %max3A_297 = arith.maximumf %select_n3A_292, %select_n3A_293 : vector<16xf32>
      %max3A_298 = arith.maximumf %max3A_294, %max3A_295 : vector<16xf32>
      %max3A_299 = arith.maximumf %max3A_296, %max3A_297 : vector<16xf32>
      %max3A_300 = arith.maximumf %max3A_298, %max3A_299 : vector<16xf32>
      %ge3A = arith.cmpf oge, %add3A_285, %broadcast_in_dim3A_9 : vector<16xf32>
      %select_n3A_301 = arith.select %ge3A, %max3A_262, %max3A_300 : vector<16xi1>, vector<16xf32>
      %ge3A_302 = arith.cmpf oge, %get3A_171, %select_n3A_301 : vector<16xf32>
      %select_n3A_303 = arith.select %ge3A_302, %convert_element_type3A, %broadcast_in_dim3A_5 : vector<16xi1>, vector<16xf32>
      %add3A_304 = arith.addf %scan3A_119, %select_n3A_303 : vector<16xf32>
      %ge3A_305 = arith.cmpf oge, %get3A_176, %select_n3A_301 : vector<16xf32>
      %select_n3A_306 = arith.select %ge3A_305, %convert_element_type3A, %broadcast_in_dim3A_5 : vector<16xi1>, vector<16xf32>
      %add3A_307 = arith.addf %scan3A_120, %select_n3A_306 : vector<16xf32>
      %ge3A_308 = arith.cmpf oge, %get3A_181, %select_n3A_301 : vector<16xf32>
      %select_n3A_309 = arith.select %ge3A_308, %convert_element_type3A, %broadcast_in_dim3A_5 : vector<16xi1>, vector<16xf32>
      %add3A_310 = arith.addf %scan3A_121, %select_n3A_309 : vector<16xf32>
      %ge3A_311 = arith.cmpf oge, %get3A_186, %select_n3A_301 : vector<16xf32>
      %select_n3A_312 = arith.select %ge3A_311, %convert_element_type3A, %broadcast_in_dim3A_5 : vector<16xi1>, vector<16xf32>
      %add3A_313 = arith.addf %scan3A_122, %select_n3A_312 : vector<16xf32>
      %ge3A_314 = arith.cmpf oge, %get3A_191, %select_n3A_301 : vector<16xf32>
      %select_n3A_315 = arith.select %ge3A_314, %convert_element_type3A, %broadcast_in_dim3A_5 : vector<16xi1>, vector<16xf32>
      %add3A_316 = arith.addf %scan3A_123, %select_n3A_315 : vector<16xf32>
      %ge3A_317 = arith.cmpf oge, %get3A_196, %select_n3A_301 : vector<16xf32>
      %select_n3A_318 = arith.select %ge3A_317, %convert_element_type3A, %broadcast_in_dim3A_5 : vector<16xi1>, vector<16xf32>
      %add3A_319 = arith.addf %scan3A_124, %select_n3A_318 : vector<16xf32>
      %ge3A_320 = arith.cmpf oge, %get3A_201, %select_n3A_301 : vector<16xf32>
      %select_n3A_321 = arith.select %ge3A_320, %convert_element_type3A, %broadcast_in_dim3A_5 : vector<16xi1>, vector<16xf32>
      %add3A_322 = arith.addf %scan3A_125, %select_n3A_321 : vector<16xf32>
      %ge3A_323 = arith.cmpf oge, %get3A_206, %select_n3A_301 : vector<16xf32>
      %select_n3A_324 = arith.select %ge3A_323, %convert_element_type3A, %broadcast_in_dim3A_5 : vector<16xi1>, vector<16xf32>
      %add3A_325 = arith.addf %scan3A_126, %select_n3A_324 : vector<16xf32>
      %mul3A_326 = arith.mulf %exp3A, %div3A_256 : vector<16xf32>
      %add3A_327 = arith.addf %scan3A_127, %mul3A_326 : vector<16xf32>
      %mul3A_328 = arith.mulf %exp3A_242, %div3A_256 : vector<16xf32>
      %add3A_329 = arith.addf %scan3A_128, %mul3A_328 : vector<16xf32>
      %mul3A_330 = arith.mulf %exp3A_243, %div3A_256 : vector<16xf32>
      %add3A_331 = arith.addf %scan3A_129, %mul3A_330 : vector<16xf32>
      %mul3A_332 = arith.mulf %exp3A_244, %div3A_256 : vector<16xf32>
      %add3A_333 = arith.addf %scan3A_130, %mul3A_332 : vector<16xf32>
      %mul3A_334 = arith.mulf %exp3A_245, %div3A_256 : vector<16xf32>
      %add3A_335 = arith.addf %scan3A_131, %mul3A_334 : vector<16xf32>
      %mul3A_336 = arith.mulf %exp3A_246, %div3A_256 : vector<16xf32>
      %add3A_337 = arith.addf %scan3A_132, %mul3A_336 : vector<16xf32>
      %mul3A_338 = arith.mulf %exp3A_247, %div3A_256 : vector<16xf32>
      %add3A_339 = arith.addf %scan3A_133, %mul3A_338 : vector<16xf32>
      %mul3A_340 = arith.mulf %exp3A_248, %div3A_256 : vector<16xf32>
      %add3A_341 = arith.addf %scan3A_134, %mul3A_340 : vector<16xf32>
      %add3A_342 = arith.addf %scan3A_135, %convert_element_type3A : vector<16xf32>
      scf.yield %add3A_304, %add3A_307, %add3A_310, %add3A_313, %add3A_316, %add3A_319, %add3A_322, %add3A_325, %add3A_327, %add3A_329, %add3A_331, %add3A_333, %add3A_335, %add3A_337, %add3A_339, %add3A_341, %add3A_342 : vector<16xf32>, vector<16xf32>, vector<16xf32>, vector<16xf32>, vector<16xf32>, vector<16xf32>, vector<16xf32>, vector<16xf32>, vector<16xf32>, vector<16xf32>, vector<16xf32>, vector<16xf32>, vector<16xf32>, vector<16xf32>, vector<16xf32>, vector<16xf32>, vector<16xf32>
    }
    %scan3A_50 = arith.constant 64 : i32
    %swap3A = arith.constant 0 : i32
    %swap3A_51 = arith.index_cast %swap3A : i32 to index
    %swap3A_52 = arith.constant 0 : index
    %swap3A_53 = tpu.vector_load %arg7[%swap3A_51, %swap3A_52] {strides = array<i32>} : memref<17x16xf32, #tpu.memory_space<vmem>>, vector<16xf32>,
    tpu.vector_store %arg7[%swap3A_51, %swap3A_52], %scan3A_49#0 {strides = array<i32>} : memref<17x16xf32, #tpu.memory_space<vmem>>, vector<16xf32>,
    %swap3A_54 = arith.constant 1 : i32
    %swap3A_55 = arith.index_cast %swap3A_54 : i32 to index
    %swap3A_56 = arith.constant 0 : index
    %swap3A_57 = tpu.vector_load %arg7[%swap3A_55, %swap3A_56] {strides = array<i32>} : memref<17x16xf32, #tpu.memory_space<vmem>>, vector<16xf32>,
    tpu.vector_store %arg7[%swap3A_55, %swap3A_56], %scan3A_49#1 {strides = array<i32>} : memref<17x16xf32, #tpu.memory_space<vmem>>, vector<16xf32>,
    %swap3A_58 = arith.constant 2 : i32
    %swap3A_59 = arith.index_cast %swap3A_58 : i32 to index
    %swap3A_60 = arith.constant 0 : index
    %swap3A_61 = tpu.vector_load %arg7[%swap3A_59, %swap3A_60] {strides = array<i32>} : memref<17x16xf32, #tpu.memory_space<vmem>>, vector<16xf32>,
    tpu.vector_store %arg7[%swap3A_59, %swap3A_60], %scan3A_49#2 {strides = array<i32>} : memref<17x16xf32, #tpu.memory_space<vmem>>, vector<16xf32>,
    %swap3A_62 = arith.constant 3 : i32
    %swap3A_63 = arith.index_cast %swap3A_62 : i32 to index
    %swap3A_64 = arith.constant 0 : index
    %swap3A_65 = tpu.vector_load %arg7[%swap3A_63, %swap3A_64] {strides = array<i32>} : memref<17x16xf32, #tpu.memory_space<vmem>>, vector<16xf32>,
    tpu.vector_store %arg7[%swap3A_63, %swap3A_64], %scan3A_49#3 {strides = array<i32>} : memref<17x16xf32, #tpu.memory_space<vmem>>, vector<16xf32>,
    %swap3A_66 = arith.constant 4 : i32
    %swap3A_67 = arith.index_cast %swap3A_66 : i32 to index
    %swap3A_68 = arith.constant 0 : index
    %swap3A_69 = tpu.vector_load %arg7[%swap3A_67, %swap3A_68] {strides = array<i32>} : memref<17x16xf32, #tpu.memory_space<vmem>>, vector<16xf32>,
    tpu.vector_store %arg7[%swap3A_67, %swap3A_68], %scan3A_49#4 {strides = array<i32>} : memref<17x16xf32, #tpu.memory_space<vmem>>, vector<16xf32>,
    %swap3A_70 = arith.constant 5 : i32
    %swap3A_71 = arith.index_cast %swap3A_70 : i32 to index
    %swap3A_72 = arith.constant 0 : index
    %swap3A_73 = tpu.vector_load %arg7[%swap3A_71, %swap3A_72] {strides = array<i32>} : memref<17x16xf32, #tpu.memory_space<vmem>>, vector<16xf32>,
    tpu.vector_store %arg7[%swap3A_71, %swap3A_72], %scan3A_49#5 {strides = array<i32>} : memref<17x16xf32, #tpu.memory_space<vmem>>, vector<16xf32>,
    %swap3A_74 = arith.constant 6 : i32
    %swap3A_75 = arith.index_cast %swap3A_74 : i32 to index
    %swap3A_76 = arith.constant 0 : index
    %swap3A_77 = tpu.vector_load %arg7[%swap3A_75, %swap3A_76] {strides = array<i32>} : memref<17x16xf32, #tpu.memory_space<vmem>>, vector<16xf32>,
    tpu.vector_store %arg7[%swap3A_75, %swap3A_76], %scan3A_49#6 {strides = array<i32>} : memref<17x16xf32, #tpu.memory_space<vmem>>, vector<16xf32>,
    %swap3A_78 = arith.constant 7 : i32
    %swap3A_79 = arith.index_cast %swap3A_78 : i32 to index
    %swap3A_80 = arith.constant 0 : index
    %swap3A_81 = tpu.vector_load %arg7[%swap3A_79, %swap3A_80] {strides = array<i32>} : memref<17x16xf32, #tpu.memory_space<vmem>>, vector<16xf32>,
    tpu.vector_store %arg7[%swap3A_79, %swap3A_80], %scan3A_49#7 {strides = array<i32>} : memref<17x16xf32, #tpu.memory_space<vmem>>, vector<16xf32>,
    %swap3A_82 = arith.constant 8 : i32
    %swap3A_83 = arith.index_cast %swap3A_82 : i32 to index
    %swap3A_84 = arith.constant 0 : index
    %swap3A_85 = tpu.vector_load %arg7[%swap3A_83, %swap3A_84] {strides = array<i32>} : memref<17x16xf32, #tpu.memory_space<vmem>>, vector<16xf32>,
    tpu.vector_store %arg7[%swap3A_83, %swap3A_84], %scan3A_49#8 {strides = array<i32>} : memref<17x16xf32, #tpu.memory_space<vmem>>, vector<16xf32>,
    %swap3A_86 = arith.constant 9 : i32
    %swap3A_87 = arith.index_cast %swap3A_86 : i32 to index
    %swap3A_88 = arith.constant 0 : index
    %swap3A_89 = tpu.vector_load %arg7[%swap3A_87, %swap3A_88] {strides = array<i32>} : memref<17x16xf32, #tpu.memory_space<vmem>>, vector<16xf32>,
    tpu.vector_store %arg7[%swap3A_87, %swap3A_88], %scan3A_49#9 {strides = array<i32>} : memref<17x16xf32, #tpu.memory_space<vmem>>, vector<16xf32>,
    %swap3A_90 = arith.constant 10 : i32
    %swap3A_91 = arith.index_cast %swap3A_90 : i32 to index
    %swap3A_92 = arith.constant 0 : index
    %swap3A_93 = tpu.vector_load %arg7[%swap3A_91, %swap3A_92] {strides = array<i32>} : memref<17x16xf32, #tpu.memory_space<vmem>>, vector<16xf32>,
    tpu.vector_store %arg7[%swap3A_91, %swap3A_92], %scan3A_49#10 {strides = array<i32>} : memref<17x16xf32, #tpu.memory_space<vmem>>, vector<16xf32>,
    %swap3A_94 = arith.constant 11 : i32
    %swap3A_95 = arith.index_cast %swap3A_94 : i32 to index
    %swap3A_96 = arith.constant 0 : index
    %swap3A_97 = tpu.vector_load %arg7[%swap3A_95, %swap3A_96] {strides = array<i32>} : memref<17x16xf32, #tpu.memory_space<vmem>>, vector<16xf32>,
    tpu.vector_store %arg7[%swap3A_95, %swap3A_96], %scan3A_49#11 {strides = array<i32>} : memref<17x16xf32, #tpu.memory_space<vmem>>, vector<16xf32>,
    %swap3A_98 = arith.constant 12 : i32
    %swap3A_99 = arith.index_cast %swap3A_98 : i32 to index
    %swap3A_100 = arith.constant 0 : index
    %swap3A_101 = tpu.vector_load %arg7[%swap3A_99, %swap3A_100] {strides = array<i32>} : memref<17x16xf32, #tpu.memory_space<vmem>>, vector<16xf32>,
    tpu.vector_store %arg7[%swap3A_99, %swap3A_100], %scan3A_49#12 {strides = array<i32>} : memref<17x16xf32, #tpu.memory_space<vmem>>, vector<16xf32>,
    %swap3A_102 = arith.constant 13 : i32
    %swap3A_103 = arith.index_cast %swap3A_102 : i32 to index
    %swap3A_104 = arith.constant 0 : index
    %swap3A_105 = tpu.vector_load %arg7[%swap3A_103, %swap3A_104] {strides = array<i32>} : memref<17x16xf32, #tpu.memory_space<vmem>>, vector<16xf32>,
    tpu.vector_store %arg7[%swap3A_103, %swap3A_104], %scan3A_49#13 {strides = array<i32>} : memref<17x16xf32, #tpu.memory_space<vmem>>, vector<16xf32>,
    %swap3A_106 = arith.constant 14 : i32
    %swap3A_107 = arith.index_cast %swap3A_106 : i32 to index
    %swap3A_108 = arith.constant 0 : index
    %swap3A_109 = tpu.vector_load %arg7[%swap3A_107, %swap3A_108] {strides = array<i32>} : memref<17x16xf32, #tpu.memory_space<vmem>>, vector<16xf32>,
    tpu.vector_store %arg7[%swap3A_107, %swap3A_108], %scan3A_49#14 {strides = array<i32>} : memref<17x16xf32, #tpu.memory_space<vmem>>, vector<16xf32>,
    %swap3A_110 = arith.constant 15 : i32
    %swap3A_111 = arith.index_cast %swap3A_110 : i32 to index
    %swap3A_112 = arith.constant 0 : index
    %swap3A_113 = tpu.vector_load %arg7[%swap3A_111, %swap3A_112] {strides = array<i32>} : memref<17x16xf32, #tpu.memory_space<vmem>>, vector<16xf32>,
    tpu.vector_store %arg7[%swap3A_111, %swap3A_112], %scan3A_49#15 {strides = array<i32>} : memref<17x16xf32, #tpu.memory_space<vmem>>, vector<16xf32>,
    %swap3A_114 = arith.constant 16 : i32
    %swap3A_115 = arith.index_cast %swap3A_114 : i32 to index
    %swap3A_116 = arith.constant 0 : index
    %swap3A_117 = tpu.vector_load %arg7[%swap3A_115, %swap3A_116] {strides = array<i32>} : memref<17x16xf32, #tpu.memory_space<vmem>>, vector<16xf32>,
    tpu.vector_store %arg7[%swap3A_115, %swap3A_116], %scan3A_49#16 {strides = array<i32>} : memref<17x16xf32, #tpu.memory_space<vmem>>, vector<16xf32>,
    "tpu.region"() ({
      %run_scoped3A = tpu.sem_alloc : memref<!tpu.dma_semaphore, #tpu.memory_space<semaphore_mem>>
      %dma_start3A = arith.constant 0 : i32
      %dma_start3A_118 = arith.constant 0 : i32
      %dma_start3A_119 = tpu.memref_slice %arg4[%add3A, %dma_start3A, %dma_start3A_118] : memref<32x17x16xf32, #tpu.memory_space<hbm>> -> memref<1x17x16xf32, #tpu.memory_space<hbm>>
      %dma_start3A_120 = tpu.memref_squeeze %dma_start3A_119 : memref<1x17x16xf32, #tpu.memory_space<hbm>> -> memref<17x16xf32, #tpu.memory_space<hbm>>
      %dma_start3A_121 = arith.constant 0 : i32
      %dma_start3A_122 = arith.constant 0 : i32
      %dma_start3A_123 = tpu.memref_slice %arg4[%add3A, %dma_start3A_121, %dma_start3A_122] : memref<32x17x16xf32, #tpu.memory_space<hbm>> -> memref<1x17x16xf32, #tpu.memory_space<hbm>>
      %dma_start3A_124 = tpu.memref_squeeze %dma_start3A_123 : memref<1x17x16xf32, #tpu.memory_space<hbm>> -> memref<17x16xf32, #tpu.memory_space<hbm>>
      tpu.enqueue_dma source(%arg7 : memref<17x16xf32, #tpu.memory_space<vmem>>) target(%dma_start3A_124 : memref<17x16xf32, #tpu.memory_space<hbm>>) target_semaphore(%run_scoped3A : memref<!tpu.dma_semaphore, #tpu.memory_space<semaphore_mem>>)
      %dma_wait3A = arith.constant 0 : i32
      %dma_wait3A_125 = arith.constant 0 : i32
      %dma_wait3A_126 = tpu.memref_slice %arg4[%add3A, %dma_wait3A, %dma_wait3A_125] : memref<32x17x16xf32, #tpu.memory_space<hbm>> -> memref<1x17x16xf32, #tpu.memory_space<hbm>>
      %dma_wait3A_127 = tpu.memref_squeeze %dma_wait3A_126 : memref<1x17x16xf32, #tpu.memory_space<hbm>> -> memref<17x16xf32, #tpu.memory_space<hbm>>
      %dma_wait3A_128 = arith.constant 0 : i32
      %dma_wait3A_129 = arith.constant 0 : i32
      %dma_wait3A_130 = tpu.memref_slice %arg4[%add3A, %dma_wait3A_128, %dma_wait3A_129] : memref<32x17x16xf32, #tpu.memory_space<hbm>> -> memref<1x17x16xf32, #tpu.memory_space<hbm>>
      %dma_wait3A_131 = tpu.memref_squeeze %dma_wait3A_130 : memref<1x17x16xf32, #tpu.memory_space<hbm>> -> memref<17x16xf32, #tpu.memory_space<hbm>>
      tpu.wait_dma2 semaphore(%run_scoped3A : memref<!tpu.dma_semaphore, #tpu.memory_space<semaphore_mem>>) src(%arg7 : memref<17x16xf32, #tpu.memory_space<vmem>>) dst(%dma_wait3A_131 : memref<17x16xf32, #tpu.memory_space<hbm>>)
      tpu.yield
    }) : () -> ()
    return
  }
}

module attributes {stable_mosaic.version = 14 : i64} {
  func.func @_fin_body(%arg0: memref<32x17x16xf32, #tpu.memory_space<vmem>>, %arg1: memref<17x128xf32, #tpu.memory_space<vmem>>, %arg2: memref<1x1xf32, #tpu.memory_space<vmem>>) attributes {dimension_semantics = [], scalar_prefetch = 0 : i64, scratch_operands = 0 : i64, tpu.core_type = #tpu.core_type<tc>} {
    %get3A = arith.constant 0 : index
    %get3A_0 = arith.constant 0 : index
    %get3A_1 = arith.constant 0 : index
    %get3A_2 = vector.load %arg0[%get3A, %get3A_0, %get3A_1] : memref<32x17x16xf32, #tpu.memory_space<vmem>>, vector<32x17x16xf32>
    %reduce_sum3A = arith.constant dense<0.000000e+00> : vector<17x16xf32>
    %reduce_sum3A_3 = vector.multi_reduction <add>, %get3A_2, %reduce_sum3A [0] : vector<32x17x16xf32> to vector<17x16xf32>
    %reduce_sum3A_4 = arith.constant dense<0.000000e+00> : vector<17xf32>
    %reduce_sum3A_5 = vector.multi_reduction <add>, %reduce_sum3A_3, %reduce_sum3A_4 [1] : vector<17x16xf32> to vector<17xf32>
    %broadcast_in_dim3A = vector.shape_cast %reduce_sum3A_5 : vector<17xf32> to vector<17x1xf32>
    %get3A_6 = arith.constant 0 : index
    %get3A_7 = arith.constant 0 : index
    %get3A_8 = vector.load %arg1[%get3A_6, %get3A_7] : memref<17x128xf32, #tpu.memory_space<vmem>>, vector<17x128xf32>
    %reduce_sum3A_9 = arith.constant dense<0.000000e+00> : vector<17xf32>
    %reduce_sum3A_10 = vector.multi_reduction <add>, %get3A_8, %reduce_sum3A_9 [1] : vector<17x128xf32> to vector<17xf32>
    %broadcast_in_dim3A_11 = vector.shape_cast %reduce_sum3A_10 : vector<17xf32> to vector<17x1xf32>
    %add3A = arith.addf %broadcast_in_dim3A, %broadcast_in_dim3A_11 : vector<17x1xf32>
    %slice3A = vector.extract_strided_slice %add3A {offsets = [0, 0], sizes = [8, 1], strides = [1, 1]} : vector<17x1xf32> to vector<8x1xf32>
    %slice3A_12 = vector.extract_strided_slice %add3A {offsets = [8, 0], sizes = [8, 1], strides = [1, 1]} : vector<17x1xf32> to vector<8x1xf32>
    %slice3A_13 = vector.extract_strided_slice %add3A {offsets = [16, 0], sizes = [1, 1], strides = [1, 1]} : vector<17x1xf32> to vector<1x1xf32>
    %mul3A = arith.mulf %slice3A, %slice3A_12 : vector<8x1xf32>
    %reduce_sum3A_14 = vector.shape_cast %mul3A : vector<8x1xf32> to vector<1x8x1xf32>
    %reduce_sum3A_15 = arith.constant dense<0.000000e+00> : vector<1xf32>
    %reduce_sum3A_16 = vector.multi_reduction <add>, %reduce_sum3A_14, %reduce_sum3A_15 [1, 2] : vector<1x8x1xf32> to vector<1xf32>
    %reduce_sum3A_17 = vector.shape_cast %reduce_sum3A_16 : vector<1xf32> to vector<1x1x1xf32>
    %reduce_sum3A_18 = vector.extract %reduce_sum3A_17[0, 0, 0] : f32 from vector<1x1x1xf32>
    %broadcast_in_dim3A_19 = vector.broadcast %reduce_sum3A_18 : f32 to vector<1x1xf32>
    %mul3A_20 = arith.constant 1.600000e-01 : f32
    %mul3A_21 = vector.broadcast %mul3A_20 : f32 to vector<1x1xf32>
    %mul3A_22 = arith.mulf %mul3A_21, %broadcast_in_dim3A_19 : vector<1x1xf32>
    %mul3A_23 = arith.mulf %slice3A_13, %slice3A_13 : vector<1x1xf32>
    %div3A = arith.divf %mul3A_22, %mul3A_23 : vector<1x1xf32>
    %swap3A = arith.constant 0 : index
    %swap3A_24 = arith.constant 0 : index
    %swap3A_25 = vector.load %arg2[%swap3A, %swap3A_24] : memref<1x1xf32, #tpu.memory_space<vmem>>, vector<1x1xf32>
    tpu.vector_store %arg2[%swap3A, %swap3A_24], %div3A {strides = array<i32>} : memref<1x1xf32, #tpu.memory_space<vmem>>, vector<1x1xf32>,
    return
  }
}

module attributes {stable_mosaic.version = 14 : i64} {
  func.func @_tc_body(%arg0: i32, %arg1: memref<128x8x128xf32, #tpu.memory_space<vmem>>, %arg2: memref<64x128xi32, #tpu.memory_space<vmem>>, %arg3: memref<17x128xf32, #tpu.memory_space<vmem>>, %arg4: memref<128x128xf32, #tpu.memory_space<vmem>>) attributes {dimension_semantics = [#tpu.dimension_semantics<arbitrary>], iteration_bounds = array<i64: 6>, scalar_prefetch = 0 : i64, scratch_operands = 1 : i64, tpu.core_type = #tpu.core_type<tc>, window_params = [{transform_indices = @transform_0, window_bounds = array<i64: 128, 8, 128>}, {pipeline_mode = #tpu.pipeline_mode<synchronous>, transform_indices = @transform_1, window_bounds = array<i64: 64, 128>}, {pipeline_mode = #tpu.pipeline_mode<synchronous>, transform_indices = @transform_2, window_bounds = array<i64: 17, 128>}]} {
    %eq3A = arith.constant 0 : i32
    %eq3A_0 = arith.cmpi eq, %arg0, %eq3A : i32
    %convert_element_type3A = arith.extui %eq3A_0 : i1 to i32
    %cond3A = arith.constant 0 : i32
    %cond3A_1 = arith.cmpi ne, %convert_element_type3A, %cond3A : i32
    scf.if %cond3A_1 {
      %get3A_51 = arith.constant 0 : index
      %get3A_52 = arith.constant 0 : index
      %get3A_53 = vector.load %arg2[%get3A_51, %get3A_52] : memref<64x128xi32, #tpu.memory_space<vmem>>, vector<1x128xi32>
      %get3A_54 = vector.shape_cast %get3A_53 : vector<1x128xi32> to vector<128xi32>
      %convert_element_type3A_55 = arith.sitofp %get3A_54 : vector<128xi32> to vector<128xf32>
      %swap3A = arith.constant 0 : index
      %swap3A_56 = arith.constant 0 : index
      %swap3A_57 = vector.load %arg4[%swap3A, %swap3A_56] : memref<128x128xf32, #tpu.memory_space<vmem>>, vector<1x128xf32>
      %swap3A_58 = vector.shape_cast %swap3A_57 : vector<1x128xf32> to vector<128xf32>
      %swap3A_59 = vector.shape_cast %convert_element_type3A_55 : vector<128xf32> to vector<1x128xf32>
      tpu.vector_store %arg4[%swap3A, %swap3A_56], %swap3A_59 {strides = array<i32>} : memref<128x128xf32, #tpu.memory_space<vmem>>, vector<1x128xf32>,
      %swap3A_60 = arith.constant 64 : index
      %swap3A_61 = arith.constant 0 : index
      %swap3A_62 = vector.load %arg4[%swap3A_60, %swap3A_61] : memref<128x128xf32, #tpu.memory_space<vmem>>, vector<1x128xf32>
      %swap3A_63 = vector.shape_cast %swap3A_62 : vector<1x128xf32> to vector<128xf32>
      %swap3A_64 = vector.shape_cast %convert_element_type3A_55 : vector<128xf32> to vector<1x128xf32>
      tpu.vector_store %arg4[%swap3A_60, %swap3A_61], %swap3A_64 {strides = array<i32>} : memref<128x128xf32, #tpu.memory_space<vmem>>, vector<1x128xf32>,
      %get3A_65 = arith.constant 4 : index
      %get3A_66 = arith.constant 0 : index
      %get3A_67 = vector.load %arg2[%get3A_65, %get3A_66] : memref<64x128xi32, #tpu.memory_space<vmem>>, vector<1x128xi32>
      %get3A_68 = vector.shape_cast %get3A_67 : vector<1x128xi32> to vector<128xi32>
      %convert_element_type3A_69 = arith.sitofp %get3A_68 : vector<128xi32> to vector<128xf32>
      %swap3A_70 = arith.constant 1 : index
      %swap3A_71 = arith.constant 0 : index
      %swap3A_72 = vector.load %arg4[%swap3A_70, %swap3A_71] : memref<128x128xf32, #tpu.memory_space<vmem>>, vector<1x128xf32>
      %swap3A_73 = vector.shape_cast %swap3A_72 : vector<1x128xf32> to vector<128xf32>
      %swap3A_74 = vector.shape_cast %convert_element_type3A_69 : vector<128xf32> to vector<1x128xf32>
      tpu.vector_store %arg4[%swap3A_70, %swap3A_71], %swap3A_74 {strides = array<i32>} : memref<128x128xf32, #tpu.memory_space<vmem>>, vector<1x128xf32>,
      %swap3A_75 = arith.constant 65 : index
      %swap3A_76 = arith.constant 0 : index
      %swap3A_77 = vector.load %arg4[%swap3A_75, %swap3A_76] : memref<128x128xf32, #tpu.memory_space<vmem>>, vector<1x128xf32>
      %swap3A_78 = vector.shape_cast %swap3A_77 : vector<1x128xf32> to vector<128xf32>
      %swap3A_79 = vector.shape_cast %convert_element_type3A_69 : vector<128xf32> to vector<1x128xf32>
      tpu.vector_store %arg4[%swap3A_75, %swap3A_76], %swap3A_79 {strides = array<i32>} : memref<128x128xf32, #tpu.memory_space<vmem>>, vector<1x128xf32>,
      %get3A_80 = arith.constant 8 : index
      %get3A_81 = arith.constant 0 : index
      %get3A_82 = vector.load %arg2[%get3A_80, %get3A_81] : memref<64x128xi32, #tpu.memory_space<vmem>>, vector<1x128xi32>
      %get3A_83 = vector.shape_cast %get3A_82 : vector<1x128xi32> to vector<128xi32>
      %convert_element_type3A_84 = arith.sitofp %get3A_83 : vector<128xi32> to vector<128xf32>
      %swap3A_85 = arith.constant 2 : index
      %swap3A_86 = arith.constant 0 : index
      %swap3A_87 = vector.load %arg4[%swap3A_85, %swap3A_86] : memref<128x128xf32, #tpu.memory_space<vmem>>, vector<1x128xf32>
      %swap3A_88 = vector.shape_cast %swap3A_87 : vector<1x128xf32> to vector<128xf32>
      %swap3A_89 = vector.shape_cast %convert_element_type3A_84 : vector<128xf32> to vector<1x128xf32>
      tpu.vector_store %arg4[%swap3A_85, %swap3A_86], %swap3A_89 {strides = array<i32>} : memref<128x128xf32, #tpu.memory_space<vmem>>, vector<1x128xf32>,
      %swap3A_90 = arith.constant 66 : index
      %swap3A_91 = arith.constant 0 : index
      %swap3A_92 = vector.load %arg4[%swap3A_90, %swap3A_91] : memref<128x128xf32, #tpu.memory_space<vmem>>, vector<1x128xf32>
      %swap3A_93 = vector.shape_cast %swap3A_92 : vector<1x128xf32> to vector<128xf32>
      %swap3A_94 = vector.shape_cast %convert_element_type3A_84 : vector<128xf32> to vector<1x128xf32>
      tpu.vector_store %arg4[%swap3A_90, %swap3A_91], %swap3A_94 {strides = array<i32>} : memref<128x128xf32, #tpu.memory_space<vmem>>, vector<1x128xf32>,
      %get3A_95 = arith.constant 12 : index
      %get3A_96 = arith.constant 0 : index
      %get3A_97 = vector.load %arg2[%get3A_95, %get3A_96] : memref<64x128xi32, #tpu.memory_space<vmem>>, vector<1x128xi32>
      %get3A_98 = vector.shape_cast %get3A_97 : vector<1x128xi32> to vector<128xi32>
      %convert_element_type3A_99 = arith.sitofp %get3A_98 : vector<128xi32> to vector<128xf32>
      %swap3A_100 = arith.constant 3 : index
      %swap3A_101 = arith.constant 0 : index
      %swap3A_102 = vector.load %arg4[%swap3A_100, %swap3A_101] : memref<128x128xf32, #tpu.memory_space<vmem>>, vector<1x128xf32>
      %swap3A_103 = vector.shape_cast %swap3A_102 : vector<1x128xf32> to vector<128xf32>
      %swap3A_104 = vector.shape_cast %convert_element_type3A_99 : vector<128xf32> to vector<1x128xf32>
      tpu.vector_store %arg4[%swap3A_100, %swap3A_101], %swap3A_104 {strides = array<i32>} : memref<128x128xf32, #tpu.memory_space<vmem>>, vector<1x128xf32>,
      %swap3A_105 = arith.constant 67 : index
      %swap3A_106 = arith.constant 0 : index
      %swap3A_107 = vector.load %arg4[%swap3A_105, %swap3A_106] : memref<128x128xf32, #tpu.memory_space<vmem>>, vector<1x128xf32>
      %swap3A_108 = vector.shape_cast %swap3A_107 : vector<1x128xf32> to vector<128xf32>
      %swap3A_109 = vector.shape_cast %convert_element_type3A_99 : vector<128xf32> to vector<1x128xf32>
      tpu.vector_store %arg4[%swap3A_105, %swap3A_106], %swap3A_109 {strides = array<i32>} : memref<128x128xf32, #tpu.memory_space<vmem>>, vector<1x128xf32>,
      %get3A_110 = arith.constant 16 : index
      %get3A_111 = arith.constant 0 : index
      %get3A_112 = vector.load %arg2[%get3A_110, %get3A_111] : memref<64x128xi32, #tpu.memory_space<vmem>>, vector<1x128xi32>
      %get3A_113 = vector.shape_cast %get3A_112 : vector<1x128xi32> to vector<128xi32>
      %convert_element_type3A_114 = arith.sitofp %get3A_113 : vector<128xi32> to vector<128xf32>
      %swap3A_115 = arith.constant 4 : index
      %swap3A_116 = arith.constant 0 : index
      %swap3A_117 = vector.load %arg4[%swap3A_115, %swap3A_116] : memref<128x128xf32, #tpu.memory_space<vmem>>, vector<1x128xf32>
      %swap3A_118 = vector.shape_cast %swap3A_117 : vector<1x128xf32> to vector<128xf32>
      %swap3A_119 = vector.shape_cast %convert_element_type3A_114 : vector<128xf32> to vector<1x128xf32>
      tpu.vector_store %arg4[%swap3A_115, %swap3A_116], %swap3A_119 {strides = array<i32>} : memref<128x128xf32, #tpu.memory_space<vmem>>, vector<1x128xf32>,
      %swap3A_120 = arith.constant 68 : index
      %swap3A_121 = arith.constant 0 : index
      %swap3A_122 = vector.load %arg4[%swap3A_120, %swap3A_121] : memref<128x128xf32, #tpu.memory_space<vmem>>, vector<1x128xf32>
      %swap3A_123 = vector.shape_cast %swap3A_122 : vector<1x128xf32> to vector<128xf32>
      %swap3A_124 = vector.shape_cast %convert_element_type3A_114 : vector<128xf32> to vector<1x128xf32>
      tpu.vector_store %arg4[%swap3A_120, %swap3A_121], %swap3A_124 {strides = array<i32>} : memref<128x128xf32, #tpu.memory_space<vmem>>, vector<1x128xf32>,
      %get3A_125 = arith.constant 20 : index
      %get3A_126 = arith.constant 0 : index
      %get3A_127 = vector.load %arg2[%get3A_125, %get3A_126] : memref<64x128xi32, #tpu.memory_space<vmem>>, vector<1x128xi32>
      %get3A_128 = vector.shape_cast %get3A_127 : vector<1x128xi32> to vector<128xi32>
      %convert_element_type3A_129 = arith.sitofp %get3A_128 : vector<128xi32> to vector<128xf32>
      %swap3A_130 = arith.constant 5 : index
      %swap3A_131 = arith.constant 0 : index
      %swap3A_132 = vector.load %arg4[%swap3A_130, %swap3A_131] : memref<128x128xf32, #tpu.memory_space<vmem>>, vector<1x128xf32>
      %swap3A_133 = vector.shape_cast %swap3A_132 : vector<1x128xf32> to vector<128xf32>
      %swap3A_134 = vector.shape_cast %convert_element_type3A_129 : vector<128xf32> to vector<1x128xf32>
      tpu.vector_store %arg4[%swap3A_130, %swap3A_131], %swap3A_134 {strides = array<i32>} : memref<128x128xf32, #tpu.memory_space<vmem>>, vector<1x128xf32>,
      %swap3A_135 = arith.constant 69 : index
      %swap3A_136 = arith.constant 0 : index
      %swap3A_137 = vector.load %arg4[%swap3A_135, %swap3A_136] : memref<128x128xf32, #tpu.memory_space<vmem>>, vector<1x128xf32>
      %swap3A_138 = vector.shape_cast %swap3A_137 : vector<1x128xf32> to vector<128xf32>
      %swap3A_139 = vector.shape_cast %convert_element_type3A_129 : vector<128xf32> to vector<1x128xf32>
      tpu.vector_store %arg4[%swap3A_135, %swap3A_136], %swap3A_139 {strides = array<i32>} : memref<128x128xf32, #tpu.memory_space<vmem>>, vector<1x128xf32>,
      %get3A_140 = arith.constant 24 : index
      %get3A_141 = arith.constant 0 : index
      %get3A_142 = vector.load %arg2[%get3A_140, %get3A_141] : memref<64x128xi32, #tpu.memory_space<vmem>>, vector<1x128xi32>
      %get3A_143 = vector.shape_cast %get3A_142 : vector<1x128xi32> to vector<128xi32>
      %convert_element_type3A_144 = arith.sitofp %get3A_143 : vector<128xi32> to vector<128xf32>
      %swap3A_145 = arith.constant 6 : index
      %swap3A_146 = arith.constant 0 : index
      %swap3A_147 = vector.load %arg4[%swap3A_145, %swap3A_146] : memref<128x128xf32, #tpu.memory_space<vmem>>, vector<1x128xf32>
      %swap3A_148 = vector.shape_cast %swap3A_147 : vector<1x128xf32> to vector<128xf32>
      %swap3A_149 = vector.shape_cast %convert_element_type3A_144 : vector<128xf32> to vector<1x128xf32>
      tpu.vector_store %arg4[%swap3A_145, %swap3A_146], %swap3A_149 {strides = array<i32>} : memref<128x128xf32, #tpu.memory_space<vmem>>, vector<1x128xf32>,
      %swap3A_150 = arith.constant 70 : index
      %swap3A_151 = arith.constant 0 : index
      %swap3A_152 = vector.load %arg4[%swap3A_150, %swap3A_151] : memref<128x128xf32, #tpu.memory_space<vmem>>, vector<1x128xf32>
      %swap3A_153 = vector.shape_cast %swap3A_152 : vector<1x128xf32> to vector<128xf32>
      %swap3A_154 = vector.shape_cast %convert_element_type3A_144 : vector<128xf32> to vector<1x128xf32>
      tpu.vector_store %arg4[%swap3A_150, %swap3A_151], %swap3A_154 {strides = array<i32>} : memref<128x128xf32, #tpu.memory_space<vmem>>, vector<1x128xf32>,
      %get3A_155 = arith.constant 28 : index
      %get3A_156 = arith.constant 0 : index
      %get3A_157 = vector.load %arg2[%get3A_155, %get3A_156] : memref<64x128xi32, #tpu.memory_space<vmem>>, vector<1x128xi32>
      %get3A_158 = vector.shape_cast %get3A_157 : vector<1x128xi32> to vector<128xi32>
      %convert_element_type3A_159 = arith.sitofp %get3A_158 : vector<128xi32> to vector<128xf32>
      %swap3A_160 = arith.constant 7 : index
      %swap3A_161 = arith.constant 0 : index
      %swap3A_162 = vector.load %arg4[%swap3A_160, %swap3A_161] : memref<128x128xf32, #tpu.memory_space<vmem>>, vector<1x128xf32>
      %swap3A_163 = vector.shape_cast %swap3A_162 : vector<1x128xf32> to vector<128xf32>
      %swap3A_164 = vector.shape_cast %convert_element_type3A_159 : vector<128xf32> to vector<1x128xf32>
      tpu.vector_store %arg4[%swap3A_160, %swap3A_161], %swap3A_164 {strides = array<i32>} : memref<128x128xf32, #tpu.memory_space<vmem>>, vector<1x128xf32>,
      %swap3A_165 = arith.constant 71 : index
      %swap3A_166 = arith.constant 0 : index
      %swap3A_167 = vector.load %arg4[%swap3A_165, %swap3A_166] : memref<128x128xf32, #tpu.memory_space<vmem>>, vector<1x128xf32>
      %swap3A_168 = vector.shape_cast %swap3A_167 : vector<1x128xf32> to vector<128xf32>
      %swap3A_169 = vector.shape_cast %convert_element_type3A_159 : vector<128xf32> to vector<1x128xf32>
      tpu.vector_store %arg4[%swap3A_165, %swap3A_166], %swap3A_169 {strides = array<i32>} : memref<128x128xf32, #tpu.memory_space<vmem>>, vector<1x128xf32>,
      %get3A_170 = arith.constant 32 : index
      %get3A_171 = arith.constant 0 : index
      %get3A_172 = vector.load %arg2[%get3A_170, %get3A_171] : memref<64x128xi32, #tpu.memory_space<vmem>>, vector<1x128xi32>
      %get3A_173 = vector.shape_cast %get3A_172 : vector<1x128xi32> to vector<128xi32>
      %convert_element_type3A_174 = arith.sitofp %get3A_173 : vector<128xi32> to vector<128xf32>
      %swap3A_175 = arith.constant 8 : index
      %swap3A_176 = arith.constant 0 : index
      %swap3A_177 = vector.load %arg4[%swap3A_175, %swap3A_176] : memref<128x128xf32, #tpu.memory_space<vmem>>, vector<1x128xf32>
      %swap3A_178 = vector.shape_cast %swap3A_177 : vector<1x128xf32> to vector<128xf32>
      %swap3A_179 = vector.shape_cast %convert_element_type3A_174 : vector<128xf32> to vector<1x128xf32>
      tpu.vector_store %arg4[%swap3A_175, %swap3A_176], %swap3A_179 {strides = array<i32>} : memref<128x128xf32, #tpu.memory_space<vmem>>, vector<1x128xf32>,
      %swap3A_180 = arith.constant 72 : index
      %swap3A_181 = arith.constant 0 : index
      %swap3A_182 = vector.load %arg4[%swap3A_180, %swap3A_181] : memref<128x128xf32, #tpu.memory_space<vmem>>, vector<1x128xf32>
      %swap3A_183 = vector.shape_cast %swap3A_182 : vector<1x128xf32> to vector<128xf32>
      %swap3A_184 = vector.shape_cast %convert_element_type3A_174 : vector<128xf32> to vector<1x128xf32>
      tpu.vector_store %arg4[%swap3A_180, %swap3A_181], %swap3A_184 {strides = array<i32>} : memref<128x128xf32, #tpu.memory_space<vmem>>, vector<1x128xf32>,
      %get3A_185 = arith.constant 36 : index
      %get3A_186 = arith.constant 0 : index
      %get3A_187 = vector.load %arg2[%get3A_185, %get3A_186] : memref<64x128xi32, #tpu.memory_space<vmem>>, vector<1x128xi32>
      %get3A_188 = vector.shape_cast %get3A_187 : vector<1x128xi32> to vector<128xi32>
      %convert_element_type3A_189 = arith.sitofp %get3A_188 : vector<128xi32> to vector<128xf32>
      %swap3A_190 = arith.constant 9 : index
      %swap3A_191 = arith.constant 0 : index
      %swap3A_192 = vector.load %arg4[%swap3A_190, %swap3A_191] : memref<128x128xf32, #tpu.memory_space<vmem>>, vector<1x128xf32>
      %swap3A_193 = vector.shape_cast %swap3A_192 : vector<1x128xf32> to vector<128xf32>
      %swap3A_194 = vector.shape_cast %convert_element_type3A_189 : vector<128xf32> to vector<1x128xf32>
      tpu.vector_store %arg4[%swap3A_190, %swap3A_191], %swap3A_194 {strides = array<i32>} : memref<128x128xf32, #tpu.memory_space<vmem>>, vector<1x128xf32>,
      %swap3A_195 = arith.constant 73 : index
      %swap3A_196 = arith.constant 0 : index
      %swap3A_197 = vector.load %arg4[%swap3A_195, %swap3A_196] : memref<128x128xf32, #tpu.memory_space<vmem>>, vector<1x128xf32>
      %swap3A_198 = vector.shape_cast %swap3A_197 : vector<1x128xf32> to vector<128xf32>
      %swap3A_199 = vector.shape_cast %convert_element_type3A_189 : vector<128xf32> to vector<1x128xf32>
      tpu.vector_store %arg4[%swap3A_195, %swap3A_196], %swap3A_199 {strides = array<i32>} : memref<128x128xf32, #tpu.memory_space<vmem>>, vector<1x128xf32>,
      %get3A_200 = arith.constant 40 : index
      %get3A_201 = arith.constant 0 : index
      %get3A_202 = vector.load %arg2[%get3A_200, %get3A_201] : memref<64x128xi32, #tpu.memory_space<vmem>>, vector<1x128xi32>
      %get3A_203 = vector.shape_cast %get3A_202 : vector<1x128xi32> to vector<128xi32>
      %convert_element_type3A_204 = arith.sitofp %get3A_203 : vector<128xi32> to vector<128xf32>
      %swap3A_205 = arith.constant 10 : index
      %swap3A_206 = arith.constant 0 : index
      %swap3A_207 = vector.load %arg4[%swap3A_205, %swap3A_206] : memref<128x128xf32, #tpu.memory_space<vmem>>, vector<1x128xf32>
      %swap3A_208 = vector.shape_cast %swap3A_207 : vector<1x128xf32> to vector<128xf32>
      %swap3A_209 = vector.shape_cast %convert_element_type3A_204 : vector<128xf32> to vector<1x128xf32>
      tpu.vector_store %arg4[%swap3A_205, %swap3A_206], %swap3A_209 {strides = array<i32>} : memref<128x128xf32, #tpu.memory_space<vmem>>, vector<1x128xf32>,
      %swap3A_210 = arith.constant 74 : index
      %swap3A_211 = arith.constant 0 : index
      %swap3A_212 = vector.load %arg4[%swap3A_210, %swap3A_211] : memref<128x128xf32, #tpu.memory_space<vmem>>, vector<1x128xf32>
      %swap3A_213 = vector.shape_cast %swap3A_212 : vector<1x128xf32> to vector<128xf32>
      %swap3A_214 = vector.shape_cast %convert_element_type3A_204 : vector<128xf32> to vector<1x128xf32>
      tpu.vector_store %arg4[%swap3A_210, %swap3A_211], %swap3A_214 {strides = array<i32>} : memref<128x128xf32, #tpu.memory_space<vmem>>, vector<1x128xf32>,
      %get3A_215 = arith.constant 44 : index
      %get3A_216 = arith.constant 0 : index
      %get3A_217 = vector.load %arg2[%get3A_215, %get3A_216] : memref<64x128xi32, #tpu.memory_space<vmem>>, vector<1x128xi32>
      %get3A_218 = vector.shape_cast %get3A_217 : vector<1x128xi32> to vector<128xi32>
      %convert_element_type3A_219 = arith.sitofp %get3A_218 : vector<128xi32> to vector<128xf32>
      %swap3A_220 = arith.constant 11 : index
      %swap3A_221 = arith.constant 0 : index
      %swap3A_222 = vector.load %arg4[%swap3A_220, %swap3A_221] : memref<128x128xf32, #tpu.memory_space<vmem>>, vector<1x128xf32>
      %swap3A_223 = vector.shape_cast %swap3A_222 : vector<1x128xf32> to vector<128xf32>
      %swap3A_224 = vector.shape_cast %convert_element_type3A_219 : vector<128xf32> to vector<1x128xf32>
      tpu.vector_store %arg4[%swap3A_220, %swap3A_221], %swap3A_224 {strides = array<i32>} : memref<128x128xf32, #tpu.memory_space<vmem>>, vector<1x128xf32>,
      %swap3A_225 = arith.constant 75 : index
      %swap3A_226 = arith.constant 0 : index
      %swap3A_227 = vector.load %arg4[%swap3A_225, %swap3A_226] : memref<128x128xf32, #tpu.memory_space<vmem>>, vector<1x128xf32>
      %swap3A_228 = vector.shape_cast %swap3A_227 : vector<1x128xf32> to vector<128xf32>
      %swap3A_229 = vector.shape_cast %convert_element_type3A_219 : vector<128xf32> to vector<1x128xf32>
      tpu.vector_store %arg4[%swap3A_225, %swap3A_226], %swap3A_229 {strides = array<i32>} : memref<128x128xf32, #tpu.memory_space<vmem>>, vector<1x128xf32>,
      %get3A_230 = arith.constant 48 : index
      %get3A_231 = arith.constant 0 : index
      %get3A_232 = vector.load %arg2[%get3A_230, %get3A_231] : memref<64x128xi32, #tpu.memory_space<vmem>>, vector<1x128xi32>
      %get3A_233 = vector.shape_cast %get3A_232 : vector<1x128xi32> to vector<128xi32>
      %convert_element_type3A_234 = arith.sitofp %get3A_233 : vector<128xi32> to vector<128xf32>
      %swap3A_235 = arith.constant 12 : index
      %swap3A_236 = arith.constant 0 : index
      %swap3A_237 = vector.load %arg4[%swap3A_235, %swap3A_236] : memref<128x128xf32, #tpu.memory_space<vmem>>, vector<1x128xf32>
      %swap3A_238 = vector.shape_cast %swap3A_237 : vector<1x128xf32> to vector<128xf32>
      %swap3A_239 = vector.shape_cast %convert_element_type3A_234 : vector<128xf32> to vector<1x128xf32>
      tpu.vector_store %arg4[%swap3A_235, %swap3A_236], %swap3A_239 {strides = array<i32>} : memref<128x128xf32, #tpu.memory_space<vmem>>, vector<1x128xf32>,
      %swap3A_240 = arith.constant 76 : index
      %swap3A_241 = arith.constant 0 : index
      %swap3A_242 = vector.load %arg4[%swap3A_240, %swap3A_241] : memref<128x128xf32, #tpu.memory_space<vmem>>, vector<1x128xf32>
      %swap3A_243 = vector.shape_cast %swap3A_242 : vector<1x128xf32> to vector<128xf32>
      %swap3A_244 = vector.shape_cast %convert_element_type3A_234 : vector<128xf32> to vector<1x128xf32>
      tpu.vector_store %arg4[%swap3A_240, %swap3A_241], %swap3A_244 {strides = array<i32>} : memref<128x128xf32, #tpu.memory_space<vmem>>, vector<1x128xf32>,
      %get3A_245 = arith.constant 52 : index
      %get3A_246 = arith.constant 0 : index
      %get3A_247 = vector.load %arg2[%get3A_245, %get3A_246] : memref<64x128xi32, #tpu.memory_space<vmem>>, vector<1x128xi32>
      %get3A_248 = vector.shape_cast %get3A_247 : vector<1x128xi32> to vector<128xi32>
      %convert_element_type3A_249 = arith.sitofp %get3A_248 : vector<128xi32> to vector<128xf32>
      %swap3A_250 = arith.constant 13 : index
      %swap3A_251 = arith.constant 0 : index
      %swap3A_252 = vector.load %arg4[%swap3A_250, %swap3A_251] : memref<128x128xf32, #tpu.memory_space<vmem>>, vector<1x128xf32>
      %swap3A_253 = vector.shape_cast %swap3A_252 : vector<1x128xf32> to vector<128xf32>
      %swap3A_254 = vector.shape_cast %convert_element_type3A_249 : vector<128xf32> to vector<1x128xf32>
      tpu.vector_store %arg4[%swap3A_250, %swap3A_251], %swap3A_254 {strides = array<i32>} : memref<128x128xf32, #tpu.memory_space<vmem>>, vector<1x128xf32>,
      %swap3A_255 = arith.constant 77 : index
      %swap3A_256 = arith.constant 0 : index
      %swap3A_257 = vector.load %arg4[%swap3A_255, %swap3A_256] : memref<128x128xf32, #tpu.memory_space<vmem>>, vector<1x128xf32>
      %swap3A_258 = vector.shape_cast %swap3A_257 : vector<1x128xf32> to vector<128xf32>
      %swap3A_259 = vector.shape_cast %convert_element_type3A_249 : vector<128xf32> to vector<1x128xf32>
      tpu.vector_store %arg4[%swap3A_255, %swap3A_256], %swap3A_259 {strides = array<i32>} : memref<128x128xf32, #tpu.memory_space<vmem>>, vector<1x128xf32>,
      %get3A_260 = arith.constant 56 : index
      %get3A_261 = arith.constant 0 : index
      %get3A_262 = vector.load %arg2[%get3A_260, %get3A_261] : memref<64x128xi32, #tpu.memory_space<vmem>>, vector<1x128xi32>
      %get3A_263 = vector.shape_cast %get3A_262 : vector<1x128xi32> to vector<128xi32>
      %convert_element_type3A_264 = arith.sitofp %get3A_263 : vector<128xi32> to vector<128xf32>
      %swap3A_265 = arith.constant 14 : index
      %swap3A_266 = arith.constant 0 : index
      %swap3A_267 = vector.load %arg4[%swap3A_265, %swap3A_266] : memref<128x128xf32, #tpu.memory_space<vmem>>, vector<1x128xf32>
      %swap3A_268 = vector.shape_cast %swap3A_267 : vector<1x128xf32> to vector<128xf32>
      %swap3A_269 = vector.shape_cast %convert_element_type3A_264 : vector<128xf32> to vector<1x128xf32>
      tpu.vector_store %arg4[%swap3A_265, %swap3A_266], %swap3A_269 {strides = array<i32>} : memref<128x128xf32, #tpu.memory_space<vmem>>, vector<1x128xf32>,
      %swap3A_270 = arith.constant 78 : index
      %swap3A_271 = arith.constant 0 : index
      %swap3A_272 = vector.load %arg4[%swap3A_270, %swap3A_271] : memref<128x128xf32, #tpu.memory_space<vmem>>, vector<1x128xf32>
      %swap3A_273 = vector.shape_cast %swap3A_272 : vector<1x128xf32> to vector<128xf32>
      %swap3A_274 = vector.shape_cast %convert_element_type3A_264 : vector<128xf32> to vector<1x128xf32>
      tpu.vector_store %arg4[%swap3A_270, %swap3A_271], %swap3A_274 {strides = array<i32>} : memref<128x128xf32, #tpu.memory_space<vmem>>, vector<1x128xf32>,
      %get3A_275 = arith.constant 60 : index
      %get3A_276 = arith.constant 0 : index
      %get3A_277 = vector.load %arg2[%get3A_275, %get3A_276] : memref<64x128xi32, #tpu.memory_space<vmem>>, vector<1x128xi32>
      %get3A_278 = vector.shape_cast %get3A_277 : vector<1x128xi32> to vector<128xi32>
      %convert_element_type3A_279 = arith.sitofp %get3A_278 : vector<128xi32> to vector<128xf32>
      %swap3A_280 = arith.constant 15 : index
      %swap3A_281 = arith.constant 0 : index
      %swap3A_282 = vector.load %arg4[%swap3A_280, %swap3A_281] : memref<128x128xf32, #tpu.memory_space<vmem>>, vector<1x128xf32>
      %swap3A_283 = vector.shape_cast %swap3A_282 : vector<1x128xf32> to vector<128xf32>
      %swap3A_284 = vector.shape_cast %convert_element_type3A_279 : vector<128xf32> to vector<1x128xf32>
      tpu.vector_store %arg4[%swap3A_280, %swap3A_281], %swap3A_284 {strides = array<i32>} : memref<128x128xf32, #tpu.memory_space<vmem>>, vector<1x128xf32>,
      %swap3A_285 = arith.constant 79 : index
      %swap3A_286 = arith.constant 0 : index
      %swap3A_287 = vector.load %arg4[%swap3A_285, %swap3A_286] : memref<128x128xf32, #tpu.memory_space<vmem>>, vector<1x128xf32>
      %swap3A_288 = vector.shape_cast %swap3A_287 : vector<1x128xf32> to vector<128xf32>
      %swap3A_289 = vector.shape_cast %convert_element_type3A_279 : vector<128xf32> to vector<1x128xf32>
      tpu.vector_store %arg4[%swap3A_285, %swap3A_286], %swap3A_289 {strides = array<i32>} : memref<128x128xf32, #tpu.memory_space<vmem>>, vector<1x128xf32>,
      %get3A_290 = arith.constant 1 : index
      %get3A_291 = arith.constant 0 : index
      %get3A_292 = vector.load %arg2[%get3A_290, %get3A_291] : memref<64x128xi32, #tpu.memory_space<vmem>>, vector<1x128xi32>
      %get3A_293 = vector.shape_cast %get3A_292 : vector<1x128xi32> to vector<128xi32>
      %convert_element_type3A_294 = arith.sitofp %get3A_293 : vector<128xi32> to vector<128xf32>
      %swap3A_295 = arith.constant 16 : index
      %swap3A_296 = arith.constant 0 : index
      %swap3A_297 = vector.load %arg4[%swap3A_295, %swap3A_296] : memref<128x128xf32, #tpu.memory_space<vmem>>, vector<1x128xf32>
      %swap3A_298 = vector.shape_cast %swap3A_297 : vector<1x128xf32> to vector<128xf32>
      %swap3A_299 = vector.shape_cast %convert_element_type3A_294 : vector<128xf32> to vector<1x128xf32>
      tpu.vector_store %arg4[%swap3A_295, %swap3A_296], %swap3A_299 {strides = array<i32>} : memref<128x128xf32, #tpu.memory_space<vmem>>, vector<1x128xf32>,
      %swap3A_300 = arith.constant 80 : index
      %swap3A_301 = arith.constant 0 : index
      %swap3A_302 = vector.load %arg4[%swap3A_300, %swap3A_301] : memref<128x128xf32, #tpu.memory_space<vmem>>, vector<1x128xf32>
      %swap3A_303 = vector.shape_cast %swap3A_302 : vector<1x128xf32> to vector<128xf32>
      %swap3A_304 = vector.shape_cast %convert_element_type3A_294 : vector<128xf32> to vector<1x128xf32>
      tpu.vector_store %arg4[%swap3A_300, %swap3A_301], %swap3A_304 {strides = array<i32>} : memref<128x128xf32, #tpu.memory_space<vmem>>, vector<1x128xf32>,
      %get3A_305 = arith.constant 5 : index
      %get3A_306 = arith.constant 0 : index
      %get3A_307 = vector.load %arg2[%get3A_305, %get3A_306] : memref<64x128xi32, #tpu.memory_space<vmem>>, vector<1x128xi32>
      %get3A_308 = vector.shape_cast %get3A_307 : vector<1x128xi32> to vector<128xi32>
      %convert_element_type3A_309 = arith.sitofp %get3A_308 : vector<128xi32> to vector<128xf32>
      %swap3A_310 = arith.constant 17 : index
      %swap3A_311 = arith.constant 0 : index
      %swap3A_312 = vector.load %arg4[%swap3A_310, %swap3A_311] : memref<128x128xf32, #tpu.memory_space<vmem>>, vector<1x128xf32>
      %swap3A_313 = vector.shape_cast %swap3A_312 : vector<1x128xf32> to vector<128xf32>
      %swap3A_314 = vector.shape_cast %convert_element_type3A_309 : vector<128xf32> to vector<1x128xf32>
      tpu.vector_store %arg4[%swap3A_310, %swap3A_311], %swap3A_314 {strides = array<i32>} : memref<128x128xf32, #tpu.memory_space<vmem>>, vector<1x128xf32>,
      %swap3A_315 = arith.constant 81 : index
      %swap3A_316 = arith.constant 0 : index
      %swap3A_317 = vector.load %arg4[%swap3A_315, %swap3A_316] : memref<128x128xf32, #tpu.memory_space<vmem>>, vector<1x128xf32>
      %swap3A_318 = vector.shape_cast %swap3A_317 : vector<1x128xf32> to vector<128xf32>
      %swap3A_319 = vector.shape_cast %convert_element_type3A_309 : vector<128xf32> to vector<1x128xf32>
      tpu.vector_store %arg4[%swap3A_315, %swap3A_316], %swap3A_319 {strides = array<i32>} : memref<128x128xf32, #tpu.memory_space<vmem>>, vector<1x128xf32>,
      %get3A_320 = arith.constant 9 : index
      %get3A_321 = arith.constant 0 : index
      %get3A_322 = vector.load %arg2[%get3A_320, %get3A_321] : memref<64x128xi32, #tpu.memory_space<vmem>>, vector<1x128xi32>
      %get3A_323 = vector.shape_cast %get3A_322 : vector<1x128xi32> to vector<128xi32>
      %convert_element_type3A_324 = arith.sitofp %get3A_323 : vector<128xi32> to vector<128xf32>
      %swap3A_325 = arith.constant 18 : index
      %swap3A_326 = arith.constant 0 : index
      %swap3A_327 = vector.load %arg4[%swap3A_325, %swap3A_326] : memref<128x128xf32, #tpu.memory_space<vmem>>, vector<1x128xf32>
      %swap3A_328 = vector.shape_cast %swap3A_327 : vector<1x128xf32> to vector<128xf32>
      %swap3A_329 = vector.shape_cast %convert_element_type3A_324 : vector<128xf32> to vector<1x128xf32>
      tpu.vector_store %arg4[%swap3A_325, %swap3A_326], %swap3A_329 {strides = array<i32>} : memref<128x128xf32, #tpu.memory_space<vmem>>, vector<1x128xf32>,
      %swap3A_330 = arith.constant 82 : index
      %swap3A_331 = arith.constant 0 : index
      %swap3A_332 = vector.load %arg4[%swap3A_330, %swap3A_331] : memref<128x128xf32, #tpu.memory_space<vmem>>, vector<1x128xf32>
      %swap3A_333 = vector.shape_cast %swap3A_332 : vector<1x128xf32> to vector<128xf32>
      %swap3A_334 = vector.shape_cast %convert_element_type3A_324 : vector<128xf32> to vector<1x128xf32>
      tpu.vector_store %arg4[%swap3A_330, %swap3A_331], %swap3A_334 {strides = array<i32>} : memref<128x128xf32, #tpu.memory_space<vmem>>, vector<1x128xf32>,
      %get3A_335 = arith.constant 13 : index
      %get3A_336 = arith.constant 0 : index
      %get3A_337 = vector.load %arg2[%get3A_335, %get3A_336] : memref<64x128xi32, #tpu.memory_space<vmem>>, vector<1x128xi32>
      %get3A_338 = vector.shape_cast %get3A_337 : vector<1x128xi32> to vector<128xi32>
      %convert_element_type3A_339 = arith.sitofp %get3A_338 : vector<128xi32> to vector<128xf32>
      %swap3A_340 = arith.constant 19 : index
      %swap3A_341 = arith.constant 0 : index
      %swap3A_342 = vector.load %arg4[%swap3A_340, %swap3A_341] : memref<128x128xf32, #tpu.memory_space<vmem>>, vector<1x128xf32>
      %swap3A_343 = vector.shape_cast %swap3A_342 : vector<1x128xf32> to vector<128xf32>
      %swap3A_344 = vector.shape_cast %convert_element_type3A_339 : vector<128xf32> to vector<1x128xf32>
      tpu.vector_store %arg4[%swap3A_340, %swap3A_341], %swap3A_344 {strides = array<i32>} : memref<128x128xf32, #tpu.memory_space<vmem>>, vector<1x128xf32>,
      %swap3A_345 = arith.constant 83 : index
      %swap3A_346 = arith.constant 0 : index
      %swap3A_347 = vector.load %arg4[%swap3A_345, %swap3A_346] : memref<128x128xf32, #tpu.memory_space<vmem>>, vector<1x128xf32>
      %swap3A_348 = vector.shape_cast %swap3A_347 : vector<1x128xf32> to vector<128xf32>
      %swap3A_349 = vector.shape_cast %convert_element_type3A_339 : vector<128xf32> to vector<1x128xf32>
      tpu.vector_store %arg4[%swap3A_345, %swap3A_346], %swap3A_349 {strides = array<i32>} : memref<128x128xf32, #tpu.memory_space<vmem>>, vector<1x128xf32>,
      %get3A_350 = arith.constant 17 : index
      %get3A_351 = arith.constant 0 : index
      %get3A_352 = vector.load %arg2[%get3A_350, %get3A_351] : memref<64x128xi32, #tpu.memory_space<vmem>>, vector<1x128xi32>
      %get3A_353 = vector.shape_cast %get3A_352 : vector<1x128xi32> to vector<128xi32>
      %convert_element_type3A_354 = arith.sitofp %get3A_353 : vector<128xi32> to vector<128xf32>
      %swap3A_355 = arith.constant 20 : index
      %swap3A_356 = arith.constant 0 : index
      %swap3A_357 = vector.load %arg4[%swap3A_355, %swap3A_356] : memref<128x128xf32, #tpu.memory_space<vmem>>, vector<1x128xf32>
      %swap3A_358 = vector.shape_cast %swap3A_357 : vector<1x128xf32> to vector<128xf32>
      %swap3A_359 = vector.shape_cast %convert_element_type3A_354 : vector<128xf32> to vector<1x128xf32>
      tpu.vector_store %arg4[%swap3A_355, %swap3A_356], %swap3A_359 {strides = array<i32>} : memref<128x128xf32, #tpu.memory_space<vmem>>, vector<1x128xf32>,
      %swap3A_360 = arith.constant 84 : index
      %swap3A_361 = arith.constant 0 : index
      %swap3A_362 = vector.load %arg4[%swap3A_360, %swap3A_361] : memref<128x128xf32, #tpu.memory_space<vmem>>, vector<1x128xf32>
      %swap3A_363 = vector.shape_cast %swap3A_362 : vector<1x128xf32> to vector<128xf32>
      %swap3A_364 = vector.shape_cast %convert_element_type3A_354 : vector<128xf32> to vector<1x128xf32>
      tpu.vector_store %arg4[%swap3A_360, %swap3A_361], %swap3A_364 {strides = array<i32>} : memref<128x128xf32, #tpu.memory_space<vmem>>, vector<1x128xf32>,
      %get3A_365 = arith.constant 21 : index
      %get3A_366 = arith.constant 0 : index
      %get3A_367 = vector.load %arg2[%get3A_365, %get3A_366] : memref<64x128xi32, #tpu.memory_space<vmem>>, vector<1x128xi32>
      %get3A_368 = vector.shape_cast %get3A_367 : vector<1x128xi32> to vector<128xi32>
      %convert_element_type3A_369 = arith.sitofp %get3A_368 : vector<128xi32> to vector<128xf32>
      %swap3A_370 = arith.constant 21 : index
      %swap3A_371 = arith.constant 0 : index
      %swap3A_372 = vector.load %arg4[%swap3A_370, %swap3A_371] : memref<128x128xf32, #tpu.memory_space<vmem>>, vector<1x128xf32>
      %swap3A_373 = vector.shape_cast %swap3A_372 : vector<1x128xf32> to vector<128xf32>
      %swap3A_374 = vector.shape_cast %convert_element_type3A_369 : vector<128xf32> to vector<1x128xf32>
      tpu.vector_store %arg4[%swap3A_370, %swap3A_371], %swap3A_374 {strides = array<i32>} : memref<128x128xf32, #tpu.memory_space<vmem>>, vector<1x128xf32>,
      %swap3A_375 = arith.constant 85 : index
      %swap3A_376 = arith.constant 0 : index
      %swap3A_377 = vector.load %arg4[%swap3A_375, %swap3A_376] : memref<128x128xf32, #tpu.memory_space<vmem>>, vector<1x128xf32>
      %swap3A_378 = vector.shape_cast %swap3A_377 : vector<1x128xf32> to vector<128xf32>
      %swap3A_379 = vector.shape_cast %convert_element_type3A_369 : vector<128xf32> to vector<1x128xf32>
      tpu.vector_store %arg4[%swap3A_375, %swap3A_376], %swap3A_379 {strides = array<i32>} : memref<128x128xf32, #tpu.memory_space<vmem>>, vector<1x128xf32>,
      %get3A_380 = arith.constant 25 : index
      %get3A_381 = arith.constant 0 : index
      %get3A_382 = vector.load %arg2[%get3A_380, %get3A_381] : memref<64x128xi32, #tpu.memory_space<vmem>>, vector<1x128xi32>
      %get3A_383 = vector.shape_cast %get3A_382 : vector<1x128xi32> to vector<128xi32>
      %convert_element_type3A_384 = arith.sitofp %get3A_383 : vector<128xi32> to vector<128xf32>
      %swap3A_385 = arith.constant 22 : index
      %swap3A_386 = arith.constant 0 : index
      %swap3A_387 = vector.load %arg4[%swap3A_385, %swap3A_386] : memref<128x128xf32, #tpu.memory_space<vmem>>, vector<1x128xf32>
      %swap3A_388 = vector.shape_cast %swap3A_387 : vector<1x128xf32> to vector<128xf32>
      %swap3A_389 = vector.shape_cast %convert_element_type3A_384 : vector<128xf32> to vector<1x128xf32>
      tpu.vector_store %arg4[%swap3A_385, %swap3A_386], %swap3A_389 {strides = array<i32>} : memref<128x128xf32, #tpu.memory_space<vmem>>, vector<1x128xf32>,
      %swap3A_390 = arith.constant 86 : index
      %swap3A_391 = arith.constant 0 : index
      %swap3A_392 = vector.load %arg4[%swap3A_390, %swap3A_391] : memref<128x128xf32, #tpu.memory_space<vmem>>, vector<1x128xf32>
      %swap3A_393 = vector.shape_cast %swap3A_392 : vector<1x128xf32> to vector<128xf32>
      %swap3A_394 = vector.shape_cast %convert_element_type3A_384 : vector<128xf32> to vector<1x128xf32>
      tpu.vector_store %arg4[%swap3A_390, %swap3A_391], %swap3A_394 {strides = array<i32>} : memref<128x128xf32, #tpu.memory_space<vmem>>, vector<1x128xf32>,
      %get3A_395 = arith.constant 29 : index
      %get3A_396 = arith.constant 0 : index
      %get3A_397 = vector.load %arg2[%get3A_395, %get3A_396] : memref<64x128xi32, #tpu.memory_space<vmem>>, vector<1x128xi32>
      %get3A_398 = vector.shape_cast %get3A_397 : vector<1x128xi32> to vector<128xi32>
      %convert_element_type3A_399 = arith.sitofp %get3A_398 : vector<128xi32> to vector<128xf32>
      %swap3A_400 = arith.constant 23 : index
      %swap3A_401 = arith.constant 0 : index
      %swap3A_402 = vector.load %arg4[%swap3A_400, %swap3A_401] : memref<128x128xf32, #tpu.memory_space<vmem>>, vector<1x128xf32>
      %swap3A_403 = vector.shape_cast %swap3A_402 : vector<1x128xf32> to vector<128xf32>
      %swap3A_404 = vector.shape_cast %convert_element_type3A_399 : vector<128xf32> to vector<1x128xf32>
      tpu.vector_store %arg4[%swap3A_400, %swap3A_401], %swap3A_404 {strides = array<i32>} : memref<128x128xf32, #tpu.memory_space<vmem>>, vector<1x128xf32>,
      %swap3A_405 = arith.constant 87 : index
      %swap3A_406 = arith.constant 0 : index
      %swap3A_407 = vector.load %arg4[%swap3A_405, %swap3A_406] : memref<128x128xf32, #tpu.memory_space<vmem>>, vector<1x128xf32>
      %swap3A_408 = vector.shape_cast %swap3A_407 : vector<1x128xf32> to vector<128xf32>
      %swap3A_409 = vector.shape_cast %convert_element_type3A_399 : vector<128xf32> to vector<1x128xf32>
      tpu.vector_store %arg4[%swap3A_405, %swap3A_406], %swap3A_409 {strides = array<i32>} : memref<128x128xf32, #tpu.memory_space<vmem>>, vector<1x128xf32>,
      %get3A_410 = arith.constant 33 : index
      %get3A_411 = arith.constant 0 : index
      %get3A_412 = vector.load %arg2[%get3A_410, %get3A_411] : memref<64x128xi32, #tpu.memory_space<vmem>>, vector<1x128xi32>
      %get3A_413 = vector.shape_cast %get3A_412 : vector<1x128xi32> to vector<128xi32>
      %convert_element_type3A_414 = arith.sitofp %get3A_413 : vector<128xi32> to vector<128xf32>
      %swap3A_415 = arith.constant 24 : index
      %swap3A_416 = arith.constant 0 : index
      %swap3A_417 = vector.load %arg4[%swap3A_415, %swap3A_416] : memref<128x128xf32, #tpu.memory_space<vmem>>, vector<1x128xf32>
      %swap3A_418 = vector.shape_cast %swap3A_417 : vector<1x128xf32> to vector<128xf32>
      %swap3A_419 = vector.shape_cast %convert_element_type3A_414 : vector<128xf32> to vector<1x128xf32>
      tpu.vector_store %arg4[%swap3A_415, %swap3A_416], %swap3A_419 {strides = array<i32>} : memref<128x128xf32, #tpu.memory_space<vmem>>, vector<1x128xf32>,
      %swap3A_420 = arith.constant 88 : index
      %swap3A_421 = arith.constant 0 : index
      %swap3A_422 = vector.load %arg4[%swap3A_420, %swap3A_421] : memref<128x128xf32, #tpu.memory_space<vmem>>, vector<1x128xf32>
      %swap3A_423 = vector.shape_cast %swap3A_422 : vector<1x128xf32> to vector<128xf32>
      %swap3A_424 = vector.shape_cast %convert_element_type3A_414 : vector<128xf32> to vector<1x128xf32>
      tpu.vector_store %arg4[%swap3A_420, %swap3A_421], %swap3A_424 {strides = array<i32>} : memref<128x128xf32, #tpu.memory_space<vmem>>, vector<1x128xf32>,
      %get3A_425 = arith.constant 37 : index
      %get3A_426 = arith.constant 0 : index
      %get3A_427 = vector.load %arg2[%get3A_425, %get3A_426] : memref<64x128xi32, #tpu.memory_space<vmem>>, vector<1x128xi32>
      %get3A_428 = vector.shape_cast %get3A_427 : vector<1x128xi32> to vector<128xi32>
      %convert_element_type3A_429 = arith.sitofp %get3A_428 : vector<128xi32> to vector<128xf32>
      %swap3A_430 = arith.constant 25 : index
      %swap3A_431 = arith.constant 0 : index
      %swap3A_432 = vector.load %arg4[%swap3A_430, %swap3A_431] : memref<128x128xf32, #tpu.memory_space<vmem>>, vector<1x128xf32>
      %swap3A_433 = vector.shape_cast %swap3A_432 : vector<1x128xf32> to vector<128xf32>
      %swap3A_434 = vector.shape_cast %convert_element_type3A_429 : vector<128xf32> to vector<1x128xf32>
      tpu.vector_store %arg4[%swap3A_430, %swap3A_431], %swap3A_434 {strides = array<i32>} : memref<128x128xf32, #tpu.memory_space<vmem>>, vector<1x128xf32>,
      %swap3A_435 = arith.constant 89 : index
      %swap3A_436 = arith.constant 0 : index
      %swap3A_437 = vector.load %arg4[%swap3A_435, %swap3A_436] : memref<128x128xf32, #tpu.memory_space<vmem>>, vector<1x128xf32>
      %swap3A_438 = vector.shape_cast %swap3A_437 : vector<1x128xf32> to vector<128xf32>
      %swap3A_439 = vector.shape_cast %convert_element_type3A_429 : vector<128xf32> to vector<1x128xf32>
      tpu.vector_store %arg4[%swap3A_435, %swap3A_436], %swap3A_439 {strides = array<i32>} : memref<128x128xf32, #tpu.memory_space<vmem>>, vector<1x128xf32>,
      %get3A_440 = arith.constant 41 : index
      %get3A_441 = arith.constant 0 : index
      %get3A_442 = vector.load %arg2[%get3A_440, %get3A_441] : memref<64x128xi32, #tpu.memory_space<vmem>>, vector<1x128xi32>
      %get3A_443 = vector.shape_cast %get3A_442 : vector<1x128xi32> to vector<128xi32>
      %convert_element_type3A_444 = arith.sitofp %get3A_443 : vector<128xi32> to vector<128xf32>
      %swap3A_445 = arith.constant 26 : index
      %swap3A_446 = arith.constant 0 : index
      %swap3A_447 = vector.load %arg4[%swap3A_445, %swap3A_446] : memref<128x128xf32, #tpu.memory_space<vmem>>, vector<1x128xf32>
      %swap3A_448 = vector.shape_cast %swap3A_447 : vector<1x128xf32> to vector<128xf32>
      %swap3A_449 = vector.shape_cast %convert_element_type3A_444 : vector<128xf32> to vector<1x128xf32>
      tpu.vector_store %arg4[%swap3A_445, %swap3A_446], %swap3A_449 {strides = array<i32>} : memref<128x128xf32, #tpu.memory_space<vmem>>, vector<1x128xf32>,
      %swap3A_450 = arith.constant 90 : index
      %swap3A_451 = arith.constant 0 : index
      %swap3A_452 = vector.load %arg4[%swap3A_450, %swap3A_451] : memref<128x128xf32, #tpu.memory_space<vmem>>, vector<1x128xf32>
      %swap3A_453 = vector.shape_cast %swap3A_452 : vector<1x128xf32> to vector<128xf32>
      %swap3A_454 = vector.shape_cast %convert_element_type3A_444 : vector<128xf32> to vector<1x128xf32>
      tpu.vector_store %arg4[%swap3A_450, %swap3A_451], %swap3A_454 {strides = array<i32>} : memref<128x128xf32, #tpu.memory_space<vmem>>, vector<1x128xf32>,
      %get3A_455 = arith.constant 45 : index
      %get3A_456 = arith.constant 0 : index
      %get3A_457 = vector.load %arg2[%get3A_455, %get3A_456] : memref<64x128xi32, #tpu.memory_space<vmem>>, vector<1x128xi32>
      %get3A_458 = vector.shape_cast %get3A_457 : vector<1x128xi32> to vector<128xi32>
      %convert_element_type3A_459 = arith.sitofp %get3A_458 : vector<128xi32> to vector<128xf32>
      %swap3A_460 = arith.constant 27 : index
      %swap3A_461 = arith.constant 0 : index
      %swap3A_462 = vector.load %arg4[%swap3A_460, %swap3A_461] : memref<128x128xf32, #tpu.memory_space<vmem>>, vector<1x128xf32>
      %swap3A_463 = vector.shape_cast %swap3A_462 : vector<1x128xf32> to vector<128xf32>
      %swap3A_464 = vector.shape_cast %convert_element_type3A_459 : vector<128xf32> to vector<1x128xf32>
      tpu.vector_store %arg4[%swap3A_460, %swap3A_461], %swap3A_464 {strides = array<i32>} : memref<128x128xf32, #tpu.memory_space<vmem>>, vector<1x128xf32>,
      %swap3A_465 = arith.constant 91 : index
      %swap3A_466 = arith.constant 0 : index
      %swap3A_467 = vector.load %arg4[%swap3A_465, %swap3A_466] : memref<128x128xf32, #tpu.memory_space<vmem>>, vector<1x128xf32>
      %swap3A_468 = vector.shape_cast %swap3A_467 : vector<1x128xf32> to vector<128xf32>
      %swap3A_469 = vector.shape_cast %convert_element_type3A_459 : vector<128xf32> to vector<1x128xf32>
      tpu.vector_store %arg4[%swap3A_465, %swap3A_466], %swap3A_469 {strides = array<i32>} : memref<128x128xf32, #tpu.memory_space<vmem>>, vector<1x128xf32>,
      %get3A_470 = arith.constant 49 : index
      %get3A_471 = arith.constant 0 : index
      %get3A_472 = vector.load %arg2[%get3A_470, %get3A_471] : memref<64x128xi32, #tpu.memory_space<vmem>>, vector<1x128xi32>
      %get3A_473 = vector.shape_cast %get3A_472 : vector<1x128xi32> to vector<128xi32>
      %convert_element_type3A_474 = arith.sitofp %get3A_473 : vector<128xi32> to vector<128xf32>
      %swap3A_475 = arith.constant 28 : index
      %swap3A_476 = arith.constant 0 : index
      %swap3A_477 = vector.load %arg4[%swap3A_475, %swap3A_476] : memref<128x128xf32, #tpu.memory_space<vmem>>, vector<1x128xf32>
      %swap3A_478 = vector.shape_cast %swap3A_477 : vector<1x128xf32> to vector<128xf32>
      %swap3A_479 = vector.shape_cast %convert_element_type3A_474 : vector<128xf32> to vector<1x128xf32>
      tpu.vector_store %arg4[%swap3A_475, %swap3A_476], %swap3A_479 {strides = array<i32>} : memref<128x128xf32, #tpu.memory_space<vmem>>, vector<1x128xf32>,
      %swap3A_480 = arith.constant 92 : index
      %swap3A_481 = arith.constant 0 : index
      %swap3A_482 = vector.load %arg4[%swap3A_480, %swap3A_481] : memref<128x128xf32, #tpu.memory_space<vmem>>, vector<1x128xf32>
      %swap3A_483 = vector.shape_cast %swap3A_482 : vector<1x128xf32> to vector<128xf32>
      %swap3A_484 = vector.shape_cast %convert_element_type3A_474 : vector<128xf32> to vector<1x128xf32>
      tpu.vector_store %arg4[%swap3A_480, %swap3A_481], %swap3A_484 {strides = array<i32>} : memref<128x128xf32, #tpu.memory_space<vmem>>, vector<1x128xf32>,
      %get3A_485 = arith.constant 53 : index
      %get3A_486 = arith.constant 0 : index
      %get3A_487 = vector.load %arg2[%get3A_485, %get3A_486] : memref<64x128xi32, #tpu.memory_space<vmem>>, vector<1x128xi32>
      %get3A_488 = vector.shape_cast %get3A_487 : vector<1x128xi32> to vector<128xi32>
      %convert_element_type3A_489 = arith.sitofp %get3A_488 : vector<128xi32> to vector<128xf32>
      %swap3A_490 = arith.constant 29 : index
      %swap3A_491 = arith.constant 0 : index
      %swap3A_492 = vector.load %arg4[%swap3A_490, %swap3A_491] : memref<128x128xf32, #tpu.memory_space<vmem>>, vector<1x128xf32>
      %swap3A_493 = vector.shape_cast %swap3A_492 : vector<1x128xf32> to vector<128xf32>
      %swap3A_494 = vector.shape_cast %convert_element_type3A_489 : vector<128xf32> to vector<1x128xf32>
      tpu.vector_store %arg4[%swap3A_490, %swap3A_491], %swap3A_494 {strides = array<i32>} : memref<128x128xf32, #tpu.memory_space<vmem>>, vector<1x128xf32>,
      %swap3A_495 = arith.constant 93 : index
      %swap3A_496 = arith.constant 0 : index
      %swap3A_497 = vector.load %arg4[%swap3A_495, %swap3A_496] : memref<128x128xf32, #tpu.memory_space<vmem>>, vector<1x128xf32>
      %swap3A_498 = vector.shape_cast %swap3A_497 : vector<1x128xf32> to vector<128xf32>
      %swap3A_499 = vector.shape_cast %convert_element_type3A_489 : vector<128xf32> to vector<1x128xf32>
      tpu.vector_store %arg4[%swap3A_495, %swap3A_496], %swap3A_499 {strides = array<i32>} : memref<128x128xf32, #tpu.memory_space<vmem>>, vector<1x128xf32>,
      %get3A_500 = arith.constant 57 : index
      %get3A_501 = arith.constant 0 : index
      %get3A_502 = vector.load %arg2[%get3A_500, %get3A_501] : memref<64x128xi32, #tpu.memory_space<vmem>>, vector<1x128xi32>
      %get3A_503 = vector.shape_cast %get3A_502 : vector<1x128xi32> to vector<128xi32>
      %convert_element_type3A_504 = arith.sitofp %get3A_503 : vector<128xi32> to vector<128xf32>
      %swap3A_505 = arith.constant 30 : index
      %swap3A_506 = arith.constant 0 : index
      %swap3A_507 = vector.load %arg4[%swap3A_505, %swap3A_506] : memref<128x128xf32, #tpu.memory_space<vmem>>, vector<1x128xf32>
      %swap3A_508 = vector.shape_cast %swap3A_507 : vector<1x128xf32> to vector<128xf32>
      %swap3A_509 = vector.shape_cast %convert_element_type3A_504 : vector<128xf32> to vector<1x128xf32>
      tpu.vector_store %arg4[%swap3A_505, %swap3A_506], %swap3A_509 {strides = array<i32>} : memref<128x128xf32, #tpu.memory_space<vmem>>, vector<1x128xf32>,
      %swap3A_510 = arith.constant 94 : index
      %swap3A_511 = arith.constant 0 : index
      %swap3A_512 = vector.load %arg4[%swap3A_510, %swap3A_511] : memref<128x128xf32, #tpu.memory_space<vmem>>, vector<1x128xf32>
      %swap3A_513 = vector.shape_cast %swap3A_512 : vector<1x128xf32> to vector<128xf32>
      %swap3A_514 = vector.shape_cast %convert_element_type3A_504 : vector<128xf32> to vector<1x128xf32>
      tpu.vector_store %arg4[%swap3A_510, %swap3A_511], %swap3A_514 {strides = array<i32>} : memref<128x128xf32, #tpu.memory_space<vmem>>, vector<1x128xf32>,
      %get3A_515 = arith.constant 61 : index
      %get3A_516 = arith.constant 0 : index
      %get3A_517 = vector.load %arg2[%get3A_515, %get3A_516] : memref<64x128xi32, #tpu.memory_space<vmem>>, vector<1x128xi32>
      %get3A_518 = vector.shape_cast %get3A_517 : vector<1x128xi32> to vector<128xi32>
      %convert_element_type3A_519 = arith.sitofp %get3A_518 : vector<128xi32> to vector<128xf32>
      %swap3A_520 = arith.constant 31 : index
      %swap3A_521 = arith.constant 0 : index
      %swap3A_522 = vector.load %arg4[%swap3A_520, %swap3A_521] : memref<128x128xf32, #tpu.memory_space<vmem>>, vector<1x128xf32>
      %swap3A_523 = vector.shape_cast %swap3A_522 : vector<1x128xf32> to vector<128xf32>
      %swap3A_524 = vector.shape_cast %convert_element_type3A_519 : vector<128xf32> to vector<1x128xf32>
      tpu.vector_store %arg4[%swap3A_520, %swap3A_521], %swap3A_524 {strides = array<i32>} : memref<128x128xf32, #tpu.memory_space<vmem>>, vector<1x128xf32>,
      %swap3A_525 = arith.constant 95 : index
      %swap3A_526 = arith.constant 0 : index
      %swap3A_527 = vector.load %arg4[%swap3A_525, %swap3A_526] : memref<128x128xf32, #tpu.memory_space<vmem>>, vector<1x128xf32>
      %swap3A_528 = vector.shape_cast %swap3A_527 : vector<1x128xf32> to vector<128xf32>
      %swap3A_529 = vector.shape_cast %convert_element_type3A_519 : vector<128xf32> to vector<1x128xf32>
      tpu.vector_store %arg4[%swap3A_525, %swap3A_526], %swap3A_529 {strides = array<i32>} : memref<128x128xf32, #tpu.memory_space<vmem>>, vector<1x128xf32>,
      %get3A_530 = arith.constant 2 : index
      %get3A_531 = arith.constant 0 : index
      %get3A_532 = vector.load %arg2[%get3A_530, %get3A_531] : memref<64x128xi32, #tpu.memory_space<vmem>>, vector<1x128xi32>
      %get3A_533 = vector.shape_cast %get3A_532 : vector<1x128xi32> to vector<128xi32>
      %convert_element_type3A_534 = arith.sitofp %get3A_533 : vector<128xi32> to vector<128xf32>
      %swap3A_535 = arith.constant 32 : index
      %swap3A_536 = arith.constant 0 : index
      %swap3A_537 = vector.load %arg4[%swap3A_535, %swap3A_536] : memref<128x128xf32, #tpu.memory_space<vmem>>, vector<1x128xf32>
      %swap3A_538 = vector.shape_cast %swap3A_537 : vector<1x128xf32> to vector<128xf32>
      %swap3A_539 = vector.shape_cast %convert_element_type3A_534 : vector<128xf32> to vector<1x128xf32>
      tpu.vector_store %arg4[%swap3A_535, %swap3A_536], %swap3A_539 {strides = array<i32>} : memref<128x128xf32, #tpu.memory_space<vmem>>, vector<1x128xf32>,
      %swap3A_540 = arith.constant 96 : index
      %swap3A_541 = arith.constant 0 : index
      %swap3A_542 = vector.load %arg4[%swap3A_540, %swap3A_541] : memref<128x128xf32, #tpu.memory_space<vmem>>, vector<1x128xf32>
      %swap3A_543 = vector.shape_cast %swap3A_542 : vector<1x128xf32> to vector<128xf32>
      %swap3A_544 = vector.shape_cast %convert_element_type3A_534 : vector<128xf32> to vector<1x128xf32>
      tpu.vector_store %arg4[%swap3A_540, %swap3A_541], %swap3A_544 {strides = array<i32>} : memref<128x128xf32, #tpu.memory_space<vmem>>, vector<1x128xf32>,
      %get3A_545 = arith.constant 6 : index
      %get3A_546 = arith.constant 0 : index
      %get3A_547 = vector.load %arg2[%get3A_545, %get3A_546] : memref<64x128xi32, #tpu.memory_space<vmem>>, vector<1x128xi32>
      %get3A_548 = vector.shape_cast %get3A_547 : vector<1x128xi32> to vector<128xi32>
      %convert_element_type3A_549 = arith.sitofp %get3A_548 : vector<128xi32> to vector<128xf32>
      %swap3A_550 = arith.constant 33 : index
      %swap3A_551 = arith.constant 0 : index
      %swap3A_552 = vector.load %arg4[%swap3A_550, %swap3A_551] : memref<128x128xf32, #tpu.memory_space<vmem>>, vector<1x128xf32>
      %swap3A_553 = vector.shape_cast %swap3A_552 : vector<1x128xf32> to vector<128xf32>
      %swap3A_554 = vector.shape_cast %convert_element_type3A_549 : vector<128xf32> to vector<1x128xf32>
      tpu.vector_store %arg4[%swap3A_550, %swap3A_551], %swap3A_554 {strides = array<i32>} : memref<128x128xf32, #tpu.memory_space<vmem>>, vector<1x128xf32>,
      %swap3A_555 = arith.constant 97 : index
      %swap3A_556 = arith.constant 0 : index
      %swap3A_557 = vector.load %arg4[%swap3A_555, %swap3A_556] : memref<128x128xf32, #tpu.memory_space<vmem>>, vector<1x128xf32>
      %swap3A_558 = vector.shape_cast %swap3A_557 : vector<1x128xf32> to vector<128xf32>
      %swap3A_559 = vector.shape_cast %convert_element_type3A_549 : vector<128xf32> to vector<1x128xf32>
      tpu.vector_store %arg4[%swap3A_555, %swap3A_556], %swap3A_559 {strides = array<i32>} : memref<128x128xf32, #tpu.memory_space<vmem>>, vector<1x128xf32>,
      %get3A_560 = arith.constant 10 : index
      %get3A_561 = arith.constant 0 : index
      %get3A_562 = vector.load %arg2[%get3A_560, %get3A_561] : memref<64x128xi32, #tpu.memory_space<vmem>>, vector<1x128xi32>
      %get3A_563 = vector.shape_cast %get3A_562 : vector<1x128xi32> to vector<128xi32>
      %convert_element_type3A_564 = arith.sitofp %get3A_563 : vector<128xi32> to vector<128xf32>
      %swap3A_565 = arith.constant 34 : index
      %swap3A_566 = arith.constant 0 : index
      %swap3A_567 = vector.load %arg4[%swap3A_565, %swap3A_566] : memref<128x128xf32, #tpu.memory_space<vmem>>, vector<1x128xf32>
      %swap3A_568 = vector.shape_cast %swap3A_567 : vector<1x128xf32> to vector<128xf32>
      %swap3A_569 = vector.shape_cast %convert_element_type3A_564 : vector<128xf32> to vector<1x128xf32>
      tpu.vector_store %arg4[%swap3A_565, %swap3A_566], %swap3A_569 {strides = array<i32>} : memref<128x128xf32, #tpu.memory_space<vmem>>, vector<1x128xf32>,
      %swap3A_570 = arith.constant 98 : index
      %swap3A_571 = arith.constant 0 : index
      %swap3A_572 = vector.load %arg4[%swap3A_570, %swap3A_571] : memref<128x128xf32, #tpu.memory_space<vmem>>, vector<1x128xf32>
      %swap3A_573 = vector.shape_cast %swap3A_572 : vector<1x128xf32> to vector<128xf32>
      %swap3A_574 = vector.shape_cast %convert_element_type3A_564 : vector<128xf32> to vector<1x128xf32>
      tpu.vector_store %arg4[%swap3A_570, %swap3A_571], %swap3A_574 {strides = array<i32>} : memref<128x128xf32, #tpu.memory_space<vmem>>, vector<1x128xf32>,
      %get3A_575 = arith.constant 14 : index
      %get3A_576 = arith.constant 0 : index
      %get3A_577 = vector.load %arg2[%get3A_575, %get3A_576] : memref<64x128xi32, #tpu.memory_space<vmem>>, vector<1x128xi32>
      %get3A_578 = vector.shape_cast %get3A_577 : vector<1x128xi32> to vector<128xi32>
      %convert_element_type3A_579 = arith.sitofp %get3A_578 : vector<128xi32> to vector<128xf32>
      %swap3A_580 = arith.constant 35 : index
      %swap3A_581 = arith.constant 0 : index
      %swap3A_582 = vector.load %arg4[%swap3A_580, %swap3A_581] : memref<128x128xf32, #tpu.memory_space<vmem>>, vector<1x128xf32>
      %swap3A_583 = vector.shape_cast %swap3A_582 : vector<1x128xf32> to vector<128xf32>
      %swap3A_584 = vector.shape_cast %convert_element_type3A_579 : vector<128xf32> to vector<1x128xf32>
      tpu.vector_store %arg4[%swap3A_580, %swap3A_581], %swap3A_584 {strides = array<i32>} : memref<128x128xf32, #tpu.memory_space<vmem>>, vector<1x128xf32>,
      %swap3A_585 = arith.constant 99 : index
      %swap3A_586 = arith.constant 0 : index
      %swap3A_587 = vector.load %arg4[%swap3A_585, %swap3A_586] : memref<128x128xf32, #tpu.memory_space<vmem>>, vector<1x128xf32>
      %swap3A_588 = vector.shape_cast %swap3A_587 : vector<1x128xf32> to vector<128xf32>
      %swap3A_589 = vector.shape_cast %convert_element_type3A_579 : vector<128xf32> to vector<1x128xf32>
      tpu.vector_store %arg4[%swap3A_585, %swap3A_586], %swap3A_589 {strides = array<i32>} : memref<128x128xf32, #tpu.memory_space<vmem>>, vector<1x128xf32>,
      %get3A_590 = arith.constant 18 : index
      %get3A_591 = arith.constant 0 : index
      %get3A_592 = vector.load %arg2[%get3A_590, %get3A_591] : memref<64x128xi32, #tpu.memory_space<vmem>>, vector<1x128xi32>
      %get3A_593 = vector.shape_cast %get3A_592 : vector<1x128xi32> to vector<128xi32>
      %convert_element_type3A_594 = arith.sitofp %get3A_593 : vector<128xi32> to vector<128xf32>
      %swap3A_595 = arith.constant 36 : index
      %swap3A_596 = arith.constant 0 : index
      %swap3A_597 = vector.load %arg4[%swap3A_595, %swap3A_596] : memref<128x128xf32, #tpu.memory_space<vmem>>, vector<1x128xf32>
      %swap3A_598 = vector.shape_cast %swap3A_597 : vector<1x128xf32> to vector<128xf32>
      %swap3A_599 = vector.shape_cast %convert_element_type3A_594 : vector<128xf32> to vector<1x128xf32>
      tpu.vector_store %arg4[%swap3A_595, %swap3A_596], %swap3A_599 {strides = array<i32>} : memref<128x128xf32, #tpu.memory_space<vmem>>, vector<1x128xf32>,
      %swap3A_600 = arith.constant 100 : index
      %swap3A_601 = arith.constant 0 : index
      %swap3A_602 = vector.load %arg4[%swap3A_600, %swap3A_601] : memref<128x128xf32, #tpu.memory_space<vmem>>, vector<1x128xf32>
      %swap3A_603 = vector.shape_cast %swap3A_602 : vector<1x128xf32> to vector<128xf32>
      %swap3A_604 = vector.shape_cast %convert_element_type3A_594 : vector<128xf32> to vector<1x128xf32>
      tpu.vector_store %arg4[%swap3A_600, %swap3A_601], %swap3A_604 {strides = array<i32>} : memref<128x128xf32, #tpu.memory_space<vmem>>, vector<1x128xf32>,
      %get3A_605 = arith.constant 22 : index
      %get3A_606 = arith.constant 0 : index
      %get3A_607 = vector.load %arg2[%get3A_605, %get3A_606] : memref<64x128xi32, #tpu.memory_space<vmem>>, vector<1x128xi32>
      %get3A_608 = vector.shape_cast %get3A_607 : vector<1x128xi32> to vector<128xi32>
      %convert_element_type3A_609 = arith.sitofp %get3A_608 : vector<128xi32> to vector<128xf32>
      %swap3A_610 = arith.constant 37 : index
      %swap3A_611 = arith.constant 0 : index
      %swap3A_612 = vector.load %arg4[%swap3A_610, %swap3A_611] : memref<128x128xf32, #tpu.memory_space<vmem>>, vector<1x128xf32>
      %swap3A_613 = vector.shape_cast %swap3A_612 : vector<1x128xf32> to vector<128xf32>
      %swap3A_614 = vector.shape_cast %convert_element_type3A_609 : vector<128xf32> to vector<1x128xf32>
      tpu.vector_store %arg4[%swap3A_610, %swap3A_611], %swap3A_614 {strides = array<i32>} : memref<128x128xf32, #tpu.memory_space<vmem>>, vector<1x128xf32>,
      %swap3A_615 = arith.constant 101 : index
      %swap3A_616 = arith.constant 0 : index
      %swap3A_617 = vector.load %arg4[%swap3A_615, %swap3A_616] : memref<128x128xf32, #tpu.memory_space<vmem>>, vector<1x128xf32>
      %swap3A_618 = vector.shape_cast %swap3A_617 : vector<1x128xf32> to vector<128xf32>
      %swap3A_619 = vector.shape_cast %convert_element_type3A_609 : vector<128xf32> to vector<1x128xf32>
      tpu.vector_store %arg4[%swap3A_615, %swap3A_616], %swap3A_619 {strides = array<i32>} : memref<128x128xf32, #tpu.memory_space<vmem>>, vector<1x128xf32>,
      %get3A_620 = arith.constant 26 : index
      %get3A_621 = arith.constant 0 : index
      %get3A_622 = vector.load %arg2[%get3A_620, %get3A_621] : memref<64x128xi32, #tpu.memory_space<vmem>>, vector<1x128xi32>
      %get3A_623 = vector.shape_cast %get3A_622 : vector<1x128xi32> to vector<128xi32>
      %convert_element_type3A_624 = arith.sitofp %get3A_623 : vector<128xi32> to vector<128xf32>
      %swap3A_625 = arith.constant 38 : index
      %swap3A_626 = arith.constant 0 : index
      %swap3A_627 = vector.load %arg4[%swap3A_625, %swap3A_626] : memref<128x128xf32, #tpu.memory_space<vmem>>, vector<1x128xf32>
      %swap3A_628 = vector.shape_cast %swap3A_627 : vector<1x128xf32> to vector<128xf32>
      %swap3A_629 = vector.shape_cast %convert_element_type3A_624 : vector<128xf32> to vector<1x128xf32>
      tpu.vector_store %arg4[%swap3A_625, %swap3A_626], %swap3A_629 {strides = array<i32>} : memref<128x128xf32, #tpu.memory_space<vmem>>, vector<1x128xf32>,
      %swap3A_630 = arith.constant 102 : index
      %swap3A_631 = arith.constant 0 : index
      %swap3A_632 = vector.load %arg4[%swap3A_630, %swap3A_631] : memref<128x128xf32, #tpu.memory_space<vmem>>, vector<1x128xf32>
      %swap3A_633 = vector.shape_cast %swap3A_632 : vector<1x128xf32> to vector<128xf32>
      %swap3A_634 = vector.shape_cast %convert_element_type3A_624 : vector<128xf32> to vector<1x128xf32>
      tpu.vector_store %arg4[%swap3A_630, %swap3A_631], %swap3A_634 {strides = array<i32>} : memref<128x128xf32, #tpu.memory_space<vmem>>, vector<1x128xf32>,
      %get3A_635 = arith.constant 30 : index
      %get3A_636 = arith.constant 0 : index
      %get3A_637 = vector.load %arg2[%get3A_635, %get3A_636] : memref<64x128xi32, #tpu.memory_space<vmem>>, vector<1x128xi32>
      %get3A_638 = vector.shape_cast %get3A_637 : vector<1x128xi32> to vector<128xi32>
      %convert_element_type3A_639 = arith.sitofp %get3A_638 : vector<128xi32> to vector<128xf32>
      %swap3A_640 = arith.constant 39 : index
      %swap3A_641 = arith.constant 0 : index
      %swap3A_642 = vector.load %arg4[%swap3A_640, %swap3A_641] : memref<128x128xf32, #tpu.memory_space<vmem>>, vector<1x128xf32>
      %swap3A_643 = vector.shape_cast %swap3A_642 : vector<1x128xf32> to vector<128xf32>
      %swap3A_644 = vector.shape_cast %convert_element_type3A_639 : vector<128xf32> to vector<1x128xf32>
      tpu.vector_store %arg4[%swap3A_640, %swap3A_641], %swap3A_644 {strides = array<i32>} : memref<128x128xf32, #tpu.memory_space<vmem>>, vector<1x128xf32>,
      %swap3A_645 = arith.constant 103 : index
      %swap3A_646 = arith.constant 0 : index
      %swap3A_647 = vector.load %arg4[%swap3A_645, %swap3A_646] : memref<128x128xf32, #tpu.memory_space<vmem>>, vector<1x128xf32>
      %swap3A_648 = vector.shape_cast %swap3A_647 : vector<1x128xf32> to vector<128xf32>
      %swap3A_649 = vector.shape_cast %convert_element_type3A_639 : vector<128xf32> to vector<1x128xf32>
      tpu.vector_store %arg4[%swap3A_645, %swap3A_646], %swap3A_649 {strides = array<i32>} : memref<128x128xf32, #tpu.memory_space<vmem>>, vector<1x128xf32>,
      %get3A_650 = arith.constant 34 : index
      %get3A_651 = arith.constant 0 : index
      %get3A_652 = vector.load %arg2[%get3A_650, %get3A_651] : memref<64x128xi32, #tpu.memory_space<vmem>>, vector<1x128xi32>
      %get3A_653 = vector.shape_cast %get3A_652 : vector<1x128xi32> to vector<128xi32>
      %convert_element_type3A_654 = arith.sitofp %get3A_653 : vector<128xi32> to vector<128xf32>
      %swap3A_655 = arith.constant 40 : index
      %swap3A_656 = arith.constant 0 : index
      %swap3A_657 = vector.load %arg4[%swap3A_655, %swap3A_656] : memref<128x128xf32, #tpu.memory_space<vmem>>, vector<1x128xf32>
      %swap3A_658 = vector.shape_cast %swap3A_657 : vector<1x128xf32> to vector<128xf32>
      %swap3A_659 = vector.shape_cast %convert_element_type3A_654 : vector<128xf32> to vector<1x128xf32>
      tpu.vector_store %arg4[%swap3A_655, %swap3A_656], %swap3A_659 {strides = array<i32>} : memref<128x128xf32, #tpu.memory_space<vmem>>, vector<1x128xf32>,
      %swap3A_660 = arith.constant 104 : index
      %swap3A_661 = arith.constant 0 : index
      %swap3A_662 = vector.load %arg4[%swap3A_660, %swap3A_661] : memref<128x128xf32, #tpu.memory_space<vmem>>, vector<1x128xf32>
      %swap3A_663 = vector.shape_cast %swap3A_662 : vector<1x128xf32> to vector<128xf32>
      %swap3A_664 = vector.shape_cast %convert_element_type3A_654 : vector<128xf32> to vector<1x128xf32>
      tpu.vector_store %arg4[%swap3A_660, %swap3A_661], %swap3A_664 {strides = array<i32>} : memref<128x128xf32, #tpu.memory_space<vmem>>, vector<1x128xf32>,
      %get3A_665 = arith.constant 38 : index
      %get3A_666 = arith.constant 0 : index
      %get3A_667 = vector.load %arg2[%get3A_665, %get3A_666] : memref<64x128xi32, #tpu.memory_space<vmem>>, vector<1x128xi32>
      %get3A_668 = vector.shape_cast %get3A_667 : vector<1x128xi32> to vector<128xi32>
      %convert_element_type3A_669 = arith.sitofp %get3A_668 : vector<128xi32> to vector<128xf32>
      %swap3A_670 = arith.constant 41 : index
      %swap3A_671 = arith.constant 0 : index
      %swap3A_672 = vector.load %arg4[%swap3A_670, %swap3A_671] : memref<128x128xf32, #tpu.memory_space<vmem>>, vector<1x128xf32>
      %swap3A_673 = vector.shape_cast %swap3A_672 : vector<1x128xf32> to vector<128xf32>
      %swap3A_674 = vector.shape_cast %convert_element_type3A_669 : vector<128xf32> to vector<1x128xf32>
      tpu.vector_store %arg4[%swap3A_670, %swap3A_671], %swap3A_674 {strides = array<i32>} : memref<128x128xf32, #tpu.memory_space<vmem>>, vector<1x128xf32>,
      %swap3A_675 = arith.constant 105 : index
      %swap3A_676 = arith.constant 0 : index
      %swap3A_677 = vector.load %arg4[%swap3A_675, %swap3A_676] : memref<128x128xf32, #tpu.memory_space<vmem>>, vector<1x128xf32>
      %swap3A_678 = vector.shape_cast %swap3A_677 : vector<1x128xf32> to vector<128xf32>
      %swap3A_679 = vector.shape_cast %convert_element_type3A_669 : vector<128xf32> to vector<1x128xf32>
      tpu.vector_store %arg4[%swap3A_675, %swap3A_676], %swap3A_679 {strides = array<i32>} : memref<128x128xf32, #tpu.memory_space<vmem>>, vector<1x128xf32>,
      %get3A_680 = arith.constant 42 : index
      %get3A_681 = arith.constant 0 : index
      %get3A_682 = vector.load %arg2[%get3A_680, %get3A_681] : memref<64x128xi32, #tpu.memory_space<vmem>>, vector<1x128xi32>
      %get3A_683 = vector.shape_cast %get3A_682 : vector<1x128xi32> to vector<128xi32>
      %convert_element_type3A_684 = arith.sitofp %get3A_683 : vector<128xi32> to vector<128xf32>
      %swap3A_685 = arith.constant 42 : index
      %swap3A_686 = arith.constant 0 : index
      %swap3A_687 = vector.load %arg4[%swap3A_685, %swap3A_686] : memref<128x128xf32, #tpu.memory_space<vmem>>, vector<1x128xf32>
      %swap3A_688 = vector.shape_cast %swap3A_687 : vector<1x128xf32> to vector<128xf32>
      %swap3A_689 = vector.shape_cast %convert_element_type3A_684 : vector<128xf32> to vector<1x128xf32>
      tpu.vector_store %arg4[%swap3A_685, %swap3A_686], %swap3A_689 {strides = array<i32>} : memref<128x128xf32, #tpu.memory_space<vmem>>, vector<1x128xf32>,
      %swap3A_690 = arith.constant 106 : index
      %swap3A_691 = arith.constant 0 : index
      %swap3A_692 = vector.load %arg4[%swap3A_690, %swap3A_691] : memref<128x128xf32, #tpu.memory_space<vmem>>, vector<1x128xf32>
      %swap3A_693 = vector.shape_cast %swap3A_692 : vector<1x128xf32> to vector<128xf32>
      %swap3A_694 = vector.shape_cast %convert_element_type3A_684 : vector<128xf32> to vector<1x128xf32>
      tpu.vector_store %arg4[%swap3A_690, %swap3A_691], %swap3A_694 {strides = array<i32>} : memref<128x128xf32, #tpu.memory_space<vmem>>, vector<1x128xf32>,
      %get3A_695 = arith.constant 46 : index
      %get3A_696 = arith.constant 0 : index
      %get3A_697 = vector.load %arg2[%get3A_695, %get3A_696] : memref<64x128xi32, #tpu.memory_space<vmem>>, vector<1x128xi32>
      %get3A_698 = vector.shape_cast %get3A_697 : vector<1x128xi32> to vector<128xi32>
      %convert_element_type3A_699 = arith.sitofp %get3A_698 : vector<128xi32> to vector<128xf32>
      %swap3A_700 = arith.constant 43 : index
      %swap3A_701 = arith.constant 0 : index
      %swap3A_702 = vector.load %arg4[%swap3A_700, %swap3A_701] : memref<128x128xf32, #tpu.memory_space<vmem>>, vector<1x128xf32>
      %swap3A_703 = vector.shape_cast %swap3A_702 : vector<1x128xf32> to vector<128xf32>
      %swap3A_704 = vector.shape_cast %convert_element_type3A_699 : vector<128xf32> to vector<1x128xf32>
      tpu.vector_store %arg4[%swap3A_700, %swap3A_701], %swap3A_704 {strides = array<i32>} : memref<128x128xf32, #tpu.memory_space<vmem>>, vector<1x128xf32>,
      %swap3A_705 = arith.constant 107 : index
      %swap3A_706 = arith.constant 0 : index
      %swap3A_707 = vector.load %arg4[%swap3A_705, %swap3A_706] : memref<128x128xf32, #tpu.memory_space<vmem>>, vector<1x128xf32>
      %swap3A_708 = vector.shape_cast %swap3A_707 : vector<1x128xf32> to vector<128xf32>
      %swap3A_709 = vector.shape_cast %convert_element_type3A_699 : vector<128xf32> to vector<1x128xf32>
      tpu.vector_store %arg4[%swap3A_705, %swap3A_706], %swap3A_709 {strides = array<i32>} : memref<128x128xf32, #tpu.memory_space<vmem>>, vector<1x128xf32>,
      %get3A_710 = arith.constant 50 : index
      %get3A_711 = arith.constant 0 : index
      %get3A_712 = vector.load %arg2[%get3A_710, %get3A_711] : memref<64x128xi32, #tpu.memory_space<vmem>>, vector<1x128xi32>
      %get3A_713 = vector.shape_cast %get3A_712 : vector<1x128xi32> to vector<128xi32>
      %convert_element_type3A_714 = arith.sitofp %get3A_713 : vector<128xi32> to vector<128xf32>
      %swap3A_715 = arith.constant 44 : index
      %swap3A_716 = arith.constant 0 : index
      %swap3A_717 = vector.load %arg4[%swap3A_715, %swap3A_716] : memref<128x128xf32, #tpu.memory_space<vmem>>, vector<1x128xf32>
      %swap3A_718 = vector.shape_cast %swap3A_717 : vector<1x128xf32> to vector<128xf32>
      %swap3A_719 = vector.shape_cast %convert_element_type3A_714 : vector<128xf32> to vector<1x128xf32>
      tpu.vector_store %arg4[%swap3A_715, %swap3A_716], %swap3A_719 {strides = array<i32>} : memref<128x128xf32, #tpu.memory_space<vmem>>, vector<1x128xf32>,
      %swap3A_720 = arith.constant 108 : index
      %swap3A_721 = arith.constant 0 : index
      %swap3A_722 = vector.load %arg4[%swap3A_720, %swap3A_721] : memref<128x128xf32, #tpu.memory_space<vmem>>, vector<1x128xf32>
      %swap3A_723 = vector.shape_cast %swap3A_722 : vector<1x128xf32> to vector<128xf32>
      %swap3A_724 = vector.shape_cast %convert_element_type3A_714 : vector<128xf32> to vector<1x128xf32>
      tpu.vector_store %arg4[%swap3A_720, %swap3A_721], %swap3A_724 {strides = array<i32>} : memref<128x128xf32, #tpu.memory_space<vmem>>, vector<1x128xf32>,
      %get3A_725 = arith.constant 54 : index
      %get3A_726 = arith.constant 0 : index
      %get3A_727 = vector.load %arg2[%get3A_725, %get3A_726] : memref<64x128xi32, #tpu.memory_space<vmem>>, vector<1x128xi32>
      %get3A_728 = vector.shape_cast %get3A_727 : vector<1x128xi32> to vector<128xi32>
      %convert_element_type3A_729 = arith.sitofp %get3A_728 : vector<128xi32> to vector<128xf32>
      %swap3A_730 = arith.constant 45 : index
      %swap3A_731 = arith.constant 0 : index
      %swap3A_732 = vector.load %arg4[%swap3A_730, %swap3A_731] : memref<128x128xf32, #tpu.memory_space<vmem>>, vector<1x128xf32>
      %swap3A_733 = vector.shape_cast %swap3A_732 : vector<1x128xf32> to vector<128xf32>
      %swap3A_734 = vector.shape_cast %convert_element_type3A_729 : vector<128xf32> to vector<1x128xf32>
      tpu.vector_store %arg4[%swap3A_730, %swap3A_731], %swap3A_734 {strides = array<i32>} : memref<128x128xf32, #tpu.memory_space<vmem>>, vector<1x128xf32>,
      %swap3A_735 = arith.constant 109 : index
      %swap3A_736 = arith.constant 0 : index
      %swap3A_737 = vector.load %arg4[%swap3A_735, %swap3A_736] : memref<128x128xf32, #tpu.memory_space<vmem>>, vector<1x128xf32>
      %swap3A_738 = vector.shape_cast %swap3A_737 : vector<1x128xf32> to vector<128xf32>
      %swap3A_739 = vector.shape_cast %convert_element_type3A_729 : vector<128xf32> to vector<1x128xf32>
      tpu.vector_store %arg4[%swap3A_735, %swap3A_736], %swap3A_739 {strides = array<i32>} : memref<128x128xf32, #tpu.memory_space<vmem>>, vector<1x128xf32>,
      %get3A_740 = arith.constant 58 : index
      %get3A_741 = arith.constant 0 : index
      %get3A_742 = vector.load %arg2[%get3A_740, %get3A_741] : memref<64x128xi32, #tpu.memory_space<vmem>>, vector<1x128xi32>
      %get3A_743 = vector.shape_cast %get3A_742 : vector<1x128xi32> to vector<128xi32>
      %convert_element_type3A_744 = arith.sitofp %get3A_743 : vector<128xi32> to vector<128xf32>
      %swap3A_745 = arith.constant 46 : index
      %swap3A_746 = arith.constant 0 : index
      %swap3A_747 = vector.load %arg4[%swap3A_745, %swap3A_746] : memref<128x128xf32, #tpu.memory_space<vmem>>, vector<1x128xf32>
      %swap3A_748 = vector.shape_cast %swap3A_747 : vector<1x128xf32> to vector<128xf32>
      %swap3A_749 = vector.shape_cast %convert_element_type3A_744 : vector<128xf32> to vector<1x128xf32>
      tpu.vector_store %arg4[%swap3A_745, %swap3A_746], %swap3A_749 {strides = array<i32>} : memref<128x128xf32, #tpu.memory_space<vmem>>, vector<1x128xf32>,
      %swap3A_750 = arith.constant 110 : index
      %swap3A_751 = arith.constant 0 : index
      %swap3A_752 = vector.load %arg4[%swap3A_750, %swap3A_751] : memref<128x128xf32, #tpu.memory_space<vmem>>, vector<1x128xf32>
      %swap3A_753 = vector.shape_cast %swap3A_752 : vector<1x128xf32> to vector<128xf32>
      %swap3A_754 = vector.shape_cast %convert_element_type3A_744 : vector<128xf32> to vector<1x128xf32>
      tpu.vector_store %arg4[%swap3A_750, %swap3A_751], %swap3A_754 {strides = array<i32>} : memref<128x128xf32, #tpu.memory_space<vmem>>, vector<1x128xf32>,
      %get3A_755 = arith.constant 62 : index
      %get3A_756 = arith.constant 0 : index
      %get3A_757 = vector.load %arg2[%get3A_755, %get3A_756] : memref<64x128xi32, #tpu.memory_space<vmem>>, vector<1x128xi32>
      %get3A_758 = vector.shape_cast %get3A_757 : vector<1x128xi32> to vector<128xi32>
      %convert_element_type3A_759 = arith.sitofp %get3A_758 : vector<128xi32> to vector<128xf32>
      %swap3A_760 = arith.constant 47 : index
      %swap3A_761 = arith.constant 0 : index
      %swap3A_762 = vector.load %arg4[%swap3A_760, %swap3A_761] : memref<128x128xf32, #tpu.memory_space<vmem>>, vector<1x128xf32>
      %swap3A_763 = vector.shape_cast %swap3A_762 : vector<1x128xf32> to vector<128xf32>
      %swap3A_764 = vector.shape_cast %convert_element_type3A_759 : vector<128xf32> to vector<1x128xf32>
      tpu.vector_store %arg4[%swap3A_760, %swap3A_761], %swap3A_764 {strides = array<i32>} : memref<128x128xf32, #tpu.memory_space<vmem>>, vector<1x128xf32>,
      %swap3A_765 = arith.constant 111 : index
      %swap3A_766 = arith.constant 0 : index
      %swap3A_767 = vector.load %arg4[%swap3A_765, %swap3A_766] : memref<128x128xf32, #tpu.memory_space<vmem>>, vector<1x128xf32>
      %swap3A_768 = vector.shape_cast %swap3A_767 : vector<1x128xf32> to vector<128xf32>
      %swap3A_769 = vector.shape_cast %convert_element_type3A_759 : vector<128xf32> to vector<1x128xf32>
      tpu.vector_store %arg4[%swap3A_765, %swap3A_766], %swap3A_769 {strides = array<i32>} : memref<128x128xf32, #tpu.memory_space<vmem>>, vector<1x128xf32>,
      %get3A_770 = arith.constant 3 : index
      %get3A_771 = arith.constant 0 : index
      %get3A_772 = vector.load %arg2[%get3A_770, %get3A_771] : memref<64x128xi32, #tpu.memory_space<vmem>>, vector<1x128xi32>
      %get3A_773 = vector.shape_cast %get3A_772 : vector<1x128xi32> to vector<128xi32>
      %convert_element_type3A_774 = arith.sitofp %get3A_773 : vector<128xi32> to vector<128xf32>
      %swap3A_775 = arith.constant 48 : index
      %swap3A_776 = arith.constant 0 : index
      %swap3A_777 = vector.load %arg4[%swap3A_775, %swap3A_776] : memref<128x128xf32, #tpu.memory_space<vmem>>, vector<1x128xf32>
      %swap3A_778 = vector.shape_cast %swap3A_777 : vector<1x128xf32> to vector<128xf32>
      %swap3A_779 = vector.shape_cast %convert_element_type3A_774 : vector<128xf32> to vector<1x128xf32>
      tpu.vector_store %arg4[%swap3A_775, %swap3A_776], %swap3A_779 {strides = array<i32>} : memref<128x128xf32, #tpu.memory_space<vmem>>, vector<1x128xf32>,
      %swap3A_780 = arith.constant 112 : index
      %swap3A_781 = arith.constant 0 : index
      %swap3A_782 = vector.load %arg4[%swap3A_780, %swap3A_781] : memref<128x128xf32, #tpu.memory_space<vmem>>, vector<1x128xf32>
      %swap3A_783 = vector.shape_cast %swap3A_782 : vector<1x128xf32> to vector<128xf32>
      %swap3A_784 = vector.shape_cast %convert_element_type3A_774 : vector<128xf32> to vector<1x128xf32>
      tpu.vector_store %arg4[%swap3A_780, %swap3A_781], %swap3A_784 {strides = array<i32>} : memref<128x128xf32, #tpu.memory_space<vmem>>, vector<1x128xf32>,
      %get3A_785 = arith.constant 7 : index
      %get3A_786 = arith.constant 0 : index
      %get3A_787 = vector.load %arg2[%get3A_785, %get3A_786] : memref<64x128xi32, #tpu.memory_space<vmem>>, vector<1x128xi32>
      %get3A_788 = vector.shape_cast %get3A_787 : vector<1x128xi32> to vector<128xi32>
      %convert_element_type3A_789 = arith.sitofp %get3A_788 : vector<128xi32> to vector<128xf32>
      %swap3A_790 = arith.constant 49 : index
      %swap3A_791 = arith.constant 0 : index
      %swap3A_792 = vector.load %arg4[%swap3A_790, %swap3A_791] : memref<128x128xf32, #tpu.memory_space<vmem>>, vector<1x128xf32>
      %swap3A_793 = vector.shape_cast %swap3A_792 : vector<1x128xf32> to vector<128xf32>
      %swap3A_794 = vector.shape_cast %convert_element_type3A_789 : vector<128xf32> to vector<1x128xf32>
      tpu.vector_store %arg4[%swap3A_790, %swap3A_791], %swap3A_794 {strides = array<i32>} : memref<128x128xf32, #tpu.memory_space<vmem>>, vector<1x128xf32>,
      %swap3A_795 = arith.constant 113 : index
      %swap3A_796 = arith.constant 0 : index
      %swap3A_797 = vector.load %arg4[%swap3A_795, %swap3A_796] : memref<128x128xf32, #tpu.memory_space<vmem>>, vector<1x128xf32>
      %swap3A_798 = vector.shape_cast %swap3A_797 : vector<1x128xf32> to vector<128xf32>
      %swap3A_799 = vector.shape_cast %convert_element_type3A_789 : vector<128xf32> to vector<1x128xf32>
      tpu.vector_store %arg4[%swap3A_795, %swap3A_796], %swap3A_799 {strides = array<i32>} : memref<128x128xf32, #tpu.memory_space<vmem>>, vector<1x128xf32>,
      %get3A_800 = arith.constant 11 : index
      %get3A_801 = arith.constant 0 : index
      %get3A_802 = vector.load %arg2[%get3A_800, %get3A_801] : memref<64x128xi32, #tpu.memory_space<vmem>>, vector<1x128xi32>
      %get3A_803 = vector.shape_cast %get3A_802 : vector<1x128xi32> to vector<128xi32>
      %convert_element_type3A_804 = arith.sitofp %get3A_803 : vector<128xi32> to vector<128xf32>
      %swap3A_805 = arith.constant 50 : index
      %swap3A_806 = arith.constant 0 : index
      %swap3A_807 = vector.load %arg4[%swap3A_805, %swap3A_806] : memref<128x128xf32, #tpu.memory_space<vmem>>, vector<1x128xf32>
      %swap3A_808 = vector.shape_cast %swap3A_807 : vector<1x128xf32> to vector<128xf32>
      %swap3A_809 = vector.shape_cast %convert_element_type3A_804 : vector<128xf32> to vector<1x128xf32>
      tpu.vector_store %arg4[%swap3A_805, %swap3A_806], %swap3A_809 {strides = array<i32>} : memref<128x128xf32, #tpu.memory_space<vmem>>, vector<1x128xf32>,
      %swap3A_810 = arith.constant 114 : index
      %swap3A_811 = arith.constant 0 : index
      %swap3A_812 = vector.load %arg4[%swap3A_810, %swap3A_811] : memref<128x128xf32, #tpu.memory_space<vmem>>, vector<1x128xf32>
      %swap3A_813 = vector.shape_cast %swap3A_812 : vector<1x128xf32> to vector<128xf32>
      %swap3A_814 = vector.shape_cast %convert_element_type3A_804 : vector<128xf32> to vector<1x128xf32>
      tpu.vector_store %arg4[%swap3A_810, %swap3A_811], %swap3A_814 {strides = array<i32>} : memref<128x128xf32, #tpu.memory_space<vmem>>, vector<1x128xf32>,
      %get3A_815 = arith.constant 15 : index
      %get3A_816 = arith.constant 0 : index
      %get3A_817 = vector.load %arg2[%get3A_815, %get3A_816] : memref<64x128xi32, #tpu.memory_space<vmem>>, vector<1x128xi32>
      %get3A_818 = vector.shape_cast %get3A_817 : vector<1x128xi32> to vector<128xi32>
      %convert_element_type3A_819 = arith.sitofp %get3A_818 : vector<128xi32> to vector<128xf32>
      %swap3A_820 = arith.constant 51 : index
      %swap3A_821 = arith.constant 0 : index
      %swap3A_822 = vector.load %arg4[%swap3A_820, %swap3A_821] : memref<128x128xf32, #tpu.memory_space<vmem>>, vector<1x128xf32>
      %swap3A_823 = vector.shape_cast %swap3A_822 : vector<1x128xf32> to vector<128xf32>
      %swap3A_824 = vector.shape_cast %convert_element_type3A_819 : vector<128xf32> to vector<1x128xf32>
      tpu.vector_store %arg4[%swap3A_820, %swap3A_821], %swap3A_824 {strides = array<i32>} : memref<128x128xf32, #tpu.memory_space<vmem>>, vector<1x128xf32>,
      %swap3A_825 = arith.constant 115 : index
      %swap3A_826 = arith.constant 0 : index
      %swap3A_827 = vector.load %arg4[%swap3A_825, %swap3A_826] : memref<128x128xf32, #tpu.memory_space<vmem>>, vector<1x128xf32>
      %swap3A_828 = vector.shape_cast %swap3A_827 : vector<1x128xf32> to vector<128xf32>
      %swap3A_829 = vector.shape_cast %convert_element_type3A_819 : vector<128xf32> to vector<1x128xf32>
      tpu.vector_store %arg4[%swap3A_825, %swap3A_826], %swap3A_829 {strides = array<i32>} : memref<128x128xf32, #tpu.memory_space<vmem>>, vector<1x128xf32>,
      %get3A_830 = arith.constant 19 : index
      %get3A_831 = arith.constant 0 : index
      %get3A_832 = vector.load %arg2[%get3A_830, %get3A_831] : memref<64x128xi32, #tpu.memory_space<vmem>>, vector<1x128xi32>
      %get3A_833 = vector.shape_cast %get3A_832 : vector<1x128xi32> to vector<128xi32>
      %convert_element_type3A_834 = arith.sitofp %get3A_833 : vector<128xi32> to vector<128xf32>
      %swap3A_835 = arith.constant 52 : index
      %swap3A_836 = arith.constant 0 : index
      %swap3A_837 = vector.load %arg4[%swap3A_835, %swap3A_836] : memref<128x128xf32, #tpu.memory_space<vmem>>, vector<1x128xf32>
      %swap3A_838 = vector.shape_cast %swap3A_837 : vector<1x128xf32> to vector<128xf32>
      %swap3A_839 = vector.shape_cast %convert_element_type3A_834 : vector<128xf32> to vector<1x128xf32>
      tpu.vector_store %arg4[%swap3A_835, %swap3A_836], %swap3A_839 {strides = array<i32>} : memref<128x128xf32, #tpu.memory_space<vmem>>, vector<1x128xf32>,
      %swap3A_840 = arith.constant 116 : index
      %swap3A_841 = arith.constant 0 : index
      %swap3A_842 = vector.load %arg4[%swap3A_840, %swap3A_841] : memref<128x128xf32, #tpu.memory_space<vmem>>, vector<1x128xf32>
      %swap3A_843 = vector.shape_cast %swap3A_842 : vector<1x128xf32> to vector<128xf32>
      %swap3A_844 = vector.shape_cast %convert_element_type3A_834 : vector<128xf32> to vector<1x128xf32>
      tpu.vector_store %arg4[%swap3A_840, %swap3A_841], %swap3A_844 {strides = array<i32>} : memref<128x128xf32, #tpu.memory_space<vmem>>, vector<1x128xf32>,
      %get3A_845 = arith.constant 23 : index
      %get3A_846 = arith.constant 0 : index
      %get3A_847 = vector.load %arg2[%get3A_845, %get3A_846] : memref<64x128xi32, #tpu.memory_space<vmem>>, vector<1x128xi32>
      %get3A_848 = vector.shape_cast %get3A_847 : vector<1x128xi32> to vector<128xi32>
      %convert_element_type3A_849 = arith.sitofp %get3A_848 : vector<128xi32> to vector<128xf32>
      %swap3A_850 = arith.constant 53 : index
      %swap3A_851 = arith.constant 0 : index
      %swap3A_852 = vector.load %arg4[%swap3A_850, %swap3A_851] : memref<128x128xf32, #tpu.memory_space<vmem>>, vector<1x128xf32>
      %swap3A_853 = vector.shape_cast %swap3A_852 : vector<1x128xf32> to vector<128xf32>
      %swap3A_854 = vector.shape_cast %convert_element_type3A_849 : vector<128xf32> to vector<1x128xf32>
      tpu.vector_store %arg4[%swap3A_850, %swap3A_851], %swap3A_854 {strides = array<i32>} : memref<128x128xf32, #tpu.memory_space<vmem>>, vector<1x128xf32>,
      %swap3A_855 = arith.constant 117 : index
      %swap3A_856 = arith.constant 0 : index
      %swap3A_857 = vector.load %arg4[%swap3A_855, %swap3A_856] : memref<128x128xf32, #tpu.memory_space<vmem>>, vector<1x128xf32>
      %swap3A_858 = vector.shape_cast %swap3A_857 : vector<1x128xf32> to vector<128xf32>
      %swap3A_859 = vector.shape_cast %convert_element_type3A_849 : vector<128xf32> to vector<1x128xf32>
      tpu.vector_store %arg4[%swap3A_855, %swap3A_856], %swap3A_859 {strides = array<i32>} : memref<128x128xf32, #tpu.memory_space<vmem>>, vector<1x128xf32>,
      %get3A_860 = arith.constant 27 : index
      %get3A_861 = arith.constant 0 : index
      %get3A_862 = vector.load %arg2[%get3A_860, %get3A_861] : memref<64x128xi32, #tpu.memory_space<vmem>>, vector<1x128xi32>
      %get3A_863 = vector.shape_cast %get3A_862 : vector<1x128xi32> to vector<128xi32>
      %convert_element_type3A_864 = arith.sitofp %get3A_863 : vector<128xi32> to vector<128xf32>
      %swap3A_865 = arith.constant 54 : index
      %swap3A_866 = arith.constant 0 : index
      %swap3A_867 = vector.load %arg4[%swap3A_865, %swap3A_866] : memref<128x128xf32, #tpu.memory_space<vmem>>, vector<1x128xf32>
      %swap3A_868 = vector.shape_cast %swap3A_867 : vector<1x128xf32> to vector<128xf32>
      %swap3A_869 = vector.shape_cast %convert_element_type3A_864 : vector<128xf32> to vector<1x128xf32>
      tpu.vector_store %arg4[%swap3A_865, %swap3A_866], %swap3A_869 {strides = array<i32>} : memref<128x128xf32, #tpu.memory_space<vmem>>, vector<1x128xf32>,
      %swap3A_870 = arith.constant 118 : index
      %swap3A_871 = arith.constant 0 : index
      %swap3A_872 = vector.load %arg4[%swap3A_870, %swap3A_871] : memref<128x128xf32, #tpu.memory_space<vmem>>, vector<1x128xf32>
      %swap3A_873 = vector.shape_cast %swap3A_872 : vector<1x128xf32> to vector<128xf32>
      %swap3A_874 = vector.shape_cast %convert_element_type3A_864 : vector<128xf32> to vector<1x128xf32>
      tpu.vector_store %arg4[%swap3A_870, %swap3A_871], %swap3A_874 {strides = array<i32>} : memref<128x128xf32, #tpu.memory_space<vmem>>, vector<1x128xf32>,
      %get3A_875 = arith.constant 31 : index
      %get3A_876 = arith.constant 0 : index
      %get3A_877 = vector.load %arg2[%get3A_875, %get3A_876] : memref<64x128xi32, #tpu.memory_space<vmem>>, vector<1x128xi32>
      %get3A_878 = vector.shape_cast %get3A_877 : vector<1x128xi32> to vector<128xi32>
      %convert_element_type3A_879 = arith.sitofp %get3A_878 : vector<128xi32> to vector<128xf32>
      %swap3A_880 = arith.constant 55 : index
      %swap3A_881 = arith.constant 0 : index
      %swap3A_882 = vector.load %arg4[%swap3A_880, %swap3A_881] : memref<128x128xf32, #tpu.memory_space<vmem>>, vector<1x128xf32>
      %swap3A_883 = vector.shape_cast %swap3A_882 : vector<1x128xf32> to vector<128xf32>
      %swap3A_884 = vector.shape_cast %convert_element_type3A_879 : vector<128xf32> to vector<1x128xf32>
      tpu.vector_store %arg4[%swap3A_880, %swap3A_881], %swap3A_884 {strides = array<i32>} : memref<128x128xf32, #tpu.memory_space<vmem>>, vector<1x128xf32>,
      %swap3A_885 = arith.constant 119 : index
      %swap3A_886 = arith.constant 0 : index
      %swap3A_887 = vector.load %arg4[%swap3A_885, %swap3A_886] : memref<128x128xf32, #tpu.memory_space<vmem>>, vector<1x128xf32>
      %swap3A_888 = vector.shape_cast %swap3A_887 : vector<1x128xf32> to vector<128xf32>
      %swap3A_889 = vector.shape_cast %convert_element_type3A_879 : vector<128xf32> to vector<1x128xf32>
      tpu.vector_store %arg4[%swap3A_885, %swap3A_886], %swap3A_889 {strides = array<i32>} : memref<128x128xf32, #tpu.memory_space<vmem>>, vector<1x128xf32>,
      %get3A_890 = arith.constant 35 : index
      %get3A_891 = arith.constant 0 : index
      %get3A_892 = vector.load %arg2[%get3A_890, %get3A_891] : memref<64x128xi32, #tpu.memory_space<vmem>>, vector<1x128xi32>
      %get3A_893 = vector.shape_cast %get3A_892 : vector<1x128xi32> to vector<128xi32>
      %convert_element_type3A_894 = arith.sitofp %get3A_893 : vector<128xi32> to vector<128xf32>
      %swap3A_895 = arith.constant 56 : index
      %swap3A_896 = arith.constant 0 : index
      %swap3A_897 = vector.load %arg4[%swap3A_895, %swap3A_896] : memref<128x128xf32, #tpu.memory_space<vmem>>, vector<1x128xf32>
      %swap3A_898 = vector.shape_cast %swap3A_897 : vector<1x128xf32> to vector<128xf32>
      %swap3A_899 = vector.shape_cast %convert_element_type3A_894 : vector<128xf32> to vector<1x128xf32>
      tpu.vector_store %arg4[%swap3A_895, %swap3A_896], %swap3A_899 {strides = array<i32>} : memref<128x128xf32, #tpu.memory_space<vmem>>, vector<1x128xf32>,
      %swap3A_900 = arith.constant 120 : index
      %swap3A_901 = arith.constant 0 : index
      %swap3A_902 = vector.load %arg4[%swap3A_900, %swap3A_901] : memref<128x128xf32, #tpu.memory_space<vmem>>, vector<1x128xf32>
      %swap3A_903 = vector.shape_cast %swap3A_902 : vector<1x128xf32> to vector<128xf32>
      %swap3A_904 = vector.shape_cast %convert_element_type3A_894 : vector<128xf32> to vector<1x128xf32>
      tpu.vector_store %arg4[%swap3A_900, %swap3A_901], %swap3A_904 {strides = array<i32>} : memref<128x128xf32, #tpu.memory_space<vmem>>, vector<1x128xf32>,
      %get3A_905 = arith.constant 39 : index
      %get3A_906 = arith.constant 0 : index
      %get3A_907 = vector.load %arg2[%get3A_905, %get3A_906] : memref<64x128xi32, #tpu.memory_space<vmem>>, vector<1x128xi32>
      %get3A_908 = vector.shape_cast %get3A_907 : vector<1x128xi32> to vector<128xi32>
      %convert_element_type3A_909 = arith.sitofp %get3A_908 : vector<128xi32> to vector<128xf32>
      %swap3A_910 = arith.constant 57 : index
      %swap3A_911 = arith.constant 0 : index
      %swap3A_912 = vector.load %arg4[%swap3A_910, %swap3A_911] : memref<128x128xf32, #tpu.memory_space<vmem>>, vector<1x128xf32>
      %swap3A_913 = vector.shape_cast %swap3A_912 : vector<1x128xf32> to vector<128xf32>
      %swap3A_914 = vector.shape_cast %convert_element_type3A_909 : vector<128xf32> to vector<1x128xf32>
      tpu.vector_store %arg4[%swap3A_910, %swap3A_911], %swap3A_914 {strides = array<i32>} : memref<128x128xf32, #tpu.memory_space<vmem>>, vector<1x128xf32>,
      %swap3A_915 = arith.constant 121 : index
      %swap3A_916 = arith.constant 0 : index
      %swap3A_917 = vector.load %arg4[%swap3A_915, %swap3A_916] : memref<128x128xf32, #tpu.memory_space<vmem>>, vector<1x128xf32>
      %swap3A_918 = vector.shape_cast %swap3A_917 : vector<1x128xf32> to vector<128xf32>
      %swap3A_919 = vector.shape_cast %convert_element_type3A_909 : vector<128xf32> to vector<1x128xf32>
      tpu.vector_store %arg4[%swap3A_915, %swap3A_916], %swap3A_919 {strides = array<i32>} : memref<128x128xf32, #tpu.memory_space<vmem>>, vector<1x128xf32>,
      %get3A_920 = arith.constant 43 : index
      %get3A_921 = arith.constant 0 : index
      %get3A_922 = vector.load %arg2[%get3A_920, %get3A_921] : memref<64x128xi32, #tpu.memory_space<vmem>>, vector<1x128xi32>
      %get3A_923 = vector.shape_cast %get3A_922 : vector<1x128xi32> to vector<128xi32>
      %convert_element_type3A_924 = arith.sitofp %get3A_923 : vector<128xi32> to vector<128xf32>
      %swap3A_925 = arith.constant 58 : index
      %swap3A_926 = arith.constant 0 : index
      %swap3A_927 = vector.load %arg4[%swap3A_925, %swap3A_926] : memref<128x128xf32, #tpu.memory_space<vmem>>, vector<1x128xf32>
      %swap3A_928 = vector.shape_cast %swap3A_927 : vector<1x128xf32> to vector<128xf32>
      %swap3A_929 = vector.shape_cast %convert_element_type3A_924 : vector<128xf32> to vector<1x128xf32>
      tpu.vector_store %arg4[%swap3A_925, %swap3A_926], %swap3A_929 {strides = array<i32>} : memref<128x128xf32, #tpu.memory_space<vmem>>, vector<1x128xf32>,
      %swap3A_930 = arith.constant 122 : index
      %swap3A_931 = arith.constant 0 : index
      %swap3A_932 = vector.load %arg4[%swap3A_930, %swap3A_931] : memref<128x128xf32, #tpu.memory_space<vmem>>, vector<1x128xf32>
      %swap3A_933 = vector.shape_cast %swap3A_932 : vector<1x128xf32> to vector<128xf32>
      %swap3A_934 = vector.shape_cast %convert_element_type3A_924 : vector<128xf32> to vector<1x128xf32>
      tpu.vector_store %arg4[%swap3A_930, %swap3A_931], %swap3A_934 {strides = array<i32>} : memref<128x128xf32, #tpu.memory_space<vmem>>, vector<1x128xf32>,
      %get3A_935 = arith.constant 47 : index
      %get3A_936 = arith.constant 0 : index
      %get3A_937 = vector.load %arg2[%get3A_935, %get3A_936] : memref<64x128xi32, #tpu.memory_space<vmem>>, vector<1x128xi32>
      %get3A_938 = vector.shape_cast %get3A_937 : vector<1x128xi32> to vector<128xi32>
      %convert_element_type3A_939 = arith.sitofp %get3A_938 : vector<128xi32> to vector<128xf32>
      %swap3A_940 = arith.constant 59 : index
      %swap3A_941 = arith.constant 0 : index
      %swap3A_942 = vector.load %arg4[%swap3A_940, %swap3A_941] : memref<128x128xf32, #tpu.memory_space<vmem>>, vector<1x128xf32>
      %swap3A_943 = vector.shape_cast %swap3A_942 : vector<1x128xf32> to vector<128xf32>
      %swap3A_944 = vector.shape_cast %convert_element_type3A_939 : vector<128xf32> to vector<1x128xf32>
      tpu.vector_store %arg4[%swap3A_940, %swap3A_941], %swap3A_944 {strides = array<i32>} : memref<128x128xf32, #tpu.memory_space<vmem>>, vector<1x128xf32>,
      %swap3A_945 = arith.constant 123 : index
      %swap3A_946 = arith.constant 0 : index
      %swap3A_947 = vector.load %arg4[%swap3A_945, %swap3A_946] : memref<128x128xf32, #tpu.memory_space<vmem>>, vector<1x128xf32>
      %swap3A_948 = vector.shape_cast %swap3A_947 : vector<1x128xf32> to vector<128xf32>
      %swap3A_949 = vector.shape_cast %convert_element_type3A_939 : vector<128xf32> to vector<1x128xf32>
      tpu.vector_store %arg4[%swap3A_945, %swap3A_946], %swap3A_949 {strides = array<i32>} : memref<128x128xf32, #tpu.memory_space<vmem>>, vector<1x128xf32>,
      %get3A_950 = arith.constant 51 : index
      %get3A_951 = arith.constant 0 : index
      %get3A_952 = vector.load %arg2[%get3A_950, %get3A_951] : memref<64x128xi32, #tpu.memory_space<vmem>>, vector<1x128xi32>
      %get3A_953 = vector.shape_cast %get3A_952 : vector<1x128xi32> to vector<128xi32>
      %convert_element_type3A_954 = arith.sitofp %get3A_953 : vector<128xi32> to vector<128xf32>
      %swap3A_955 = arith.constant 60 : index
      %swap3A_956 = arith.constant 0 : index
      %swap3A_957 = vector.load %arg4[%swap3A_955, %swap3A_956] : memref<128x128xf32, #tpu.memory_space<vmem>>, vector<1x128xf32>
      %swap3A_958 = vector.shape_cast %swap3A_957 : vector<1x128xf32> to vector<128xf32>
      %swap3A_959 = vector.shape_cast %convert_element_type3A_954 : vector<128xf32> to vector<1x128xf32>
      tpu.vector_store %arg4[%swap3A_955, %swap3A_956], %swap3A_959 {strides = array<i32>} : memref<128x128xf32, #tpu.memory_space<vmem>>, vector<1x128xf32>,
      %swap3A_960 = arith.constant 124 : index
      %swap3A_961 = arith.constant 0 : index
      %swap3A_962 = vector.load %arg4[%swap3A_960, %swap3A_961] : memref<128x128xf32, #tpu.memory_space<vmem>>, vector<1x128xf32>
      %swap3A_963 = vector.shape_cast %swap3A_962 : vector<1x128xf32> to vector<128xf32>
      %swap3A_964 = vector.shape_cast %convert_element_type3A_954 : vector<128xf32> to vector<1x128xf32>
      tpu.vector_store %arg4[%swap3A_960, %swap3A_961], %swap3A_964 {strides = array<i32>} : memref<128x128xf32, #tpu.memory_space<vmem>>, vector<1x128xf32>,
      %get3A_965 = arith.constant 55 : index
      %get3A_966 = arith.constant 0 : index
      %get3A_967 = vector.load %arg2[%get3A_965, %get3A_966] : memref<64x128xi32, #tpu.memory_space<vmem>>, vector<1x128xi32>
      %get3A_968 = vector.shape_cast %get3A_967 : vector<1x128xi32> to vector<128xi32>
      %convert_element_type3A_969 = arith.sitofp %get3A_968 : vector<128xi32> to vector<128xf32>
      %swap3A_970 = arith.constant 61 : index
      %swap3A_971 = arith.constant 0 : index
      %swap3A_972 = vector.load %arg4[%swap3A_970, %swap3A_971] : memref<128x128xf32, #tpu.memory_space<vmem>>, vector<1x128xf32>
      %swap3A_973 = vector.shape_cast %swap3A_972 : vector<1x128xf32> to vector<128xf32>
      %swap3A_974 = vector.shape_cast %convert_element_type3A_969 : vector<128xf32> to vector<1x128xf32>
      tpu.vector_store %arg4[%swap3A_970, %swap3A_971], %swap3A_974 {strides = array<i32>} : memref<128x128xf32, #tpu.memory_space<vmem>>, vector<1x128xf32>,
      %swap3A_975 = arith.constant 125 : index
      %swap3A_976 = arith.constant 0 : index
      %swap3A_977 = vector.load %arg4[%swap3A_975, %swap3A_976] : memref<128x128xf32, #tpu.memory_space<vmem>>, vector<1x128xf32>
      %swap3A_978 = vector.shape_cast %swap3A_977 : vector<1x128xf32> to vector<128xf32>
      %swap3A_979 = vector.shape_cast %convert_element_type3A_969 : vector<128xf32> to vector<1x128xf32>
      tpu.vector_store %arg4[%swap3A_975, %swap3A_976], %swap3A_979 {strides = array<i32>} : memref<128x128xf32, #tpu.memory_space<vmem>>, vector<1x128xf32>,
      %get3A_980 = arith.constant 59 : index
      %get3A_981 = arith.constant 0 : index
      %get3A_982 = vector.load %arg2[%get3A_980, %get3A_981] : memref<64x128xi32, #tpu.memory_space<vmem>>, vector<1x128xi32>
      %get3A_983 = vector.shape_cast %get3A_982 : vector<1x128xi32> to vector<128xi32>
      %convert_element_type3A_984 = arith.sitofp %get3A_983 : vector<128xi32> to vector<128xf32>
      %swap3A_985 = arith.constant 62 : index
      %swap3A_986 = arith.constant 0 : index
      %swap3A_987 = vector.load %arg4[%swap3A_985, %swap3A_986] : memref<128x128xf32, #tpu.memory_space<vmem>>, vector<1x128xf32>
      %swap3A_988 = vector.shape_cast %swap3A_987 : vector<1x128xf32> to vector<128xf32>
      %swap3A_989 = vector.shape_cast %convert_element_type3A_984 : vector<128xf32> to vector<1x128xf32>
      tpu.vector_store %arg4[%swap3A_985, %swap3A_986], %swap3A_989 {strides = array<i32>} : memref<128x128xf32, #tpu.memory_space<vmem>>, vector<1x128xf32>,
      %swap3A_990 = arith.constant 126 : index
      %swap3A_991 = arith.constant 0 : index
      %swap3A_992 = vector.load %arg4[%swap3A_990, %swap3A_991] : memref<128x128xf32, #tpu.memory_space<vmem>>, vector<1x128xf32>
      %swap3A_993 = vector.shape_cast %swap3A_992 : vector<1x128xf32> to vector<128xf32>
      %swap3A_994 = vector.shape_cast %convert_element_type3A_984 : vector<128xf32> to vector<1x128xf32>
      tpu.vector_store %arg4[%swap3A_990, %swap3A_991], %swap3A_994 {strides = array<i32>} : memref<128x128xf32, #tpu.memory_space<vmem>>, vector<1x128xf32>,
      %get3A_995 = arith.constant 63 : index
      %get3A_996 = arith.constant 0 : index
      %get3A_997 = vector.load %arg2[%get3A_995, %get3A_996] : memref<64x128xi32, #tpu.memory_space<vmem>>, vector<1x128xi32>
      %get3A_998 = vector.shape_cast %get3A_997 : vector<1x128xi32> to vector<128xi32>
      %convert_element_type3A_999 = arith.sitofp %get3A_998 : vector<128xi32> to vector<128xf32>
      %swap3A_1000 = arith.constant 63 : index
      %swap3A_1001 = arith.constant 0 : index
      %swap3A_1002 = vector.load %arg4[%swap3A_1000, %swap3A_1001] : memref<128x128xf32, #tpu.memory_space<vmem>>, vector<1x128xf32>
      %swap3A_1003 = vector.shape_cast %swap3A_1002 : vector<1x128xf32> to vector<128xf32>
      %swap3A_1004 = vector.shape_cast %convert_element_type3A_999 : vector<128xf32> to vector<1x128xf32>
      tpu.vector_store %arg4[%swap3A_1000, %swap3A_1001], %swap3A_1004 {strides = array<i32>} : memref<128x128xf32, #tpu.memory_space<vmem>>, vector<1x128xf32>,
      %swap3A_1005 = arith.constant 127 : index
      %swap3A_1006 = arith.constant 0 : index
      %swap3A_1007 = vector.load %arg4[%swap3A_1005, %swap3A_1006] : memref<128x128xf32, #tpu.memory_space<vmem>>, vector<1x128xf32>
      %swap3A_1008 = vector.shape_cast %swap3A_1007 : vector<1x128xf32> to vector<128xf32>
      %swap3A_1009 = vector.shape_cast %convert_element_type3A_999 : vector<128xf32> to vector<1x128xf32>
      tpu.vector_store %arg4[%swap3A_1005, %swap3A_1006], %swap3A_1009 {strides = array<i32>} : memref<128x128xf32, #tpu.memory_space<vmem>>, vector<1x128xf32>,
    } else {
    }
    %get3A = arith.constant 0 : index
    %get3A_2 = arith.constant 0 : index
    %get3A_3 = arith.constant 0 : index
    %get3A_4 = vector.load %arg1[%get3A, %get3A_2, %get3A_3] : memref<128x8x128xf32, #tpu.memory_space<vmem>>, vector<128x8x128xf32>
    %get3A_5 = arith.constant 0 : index
    %get3A_6 = arith.constant 0 : index
    %get3A_7 = vector.load %arg4[%get3A_5, %get3A_6] : memref<128x128xf32, #tpu.memory_space<vmem>>, vector<128x128xf32>
    %reshape3A = vector.shape_cast %get3A_7 : vector<128x128xf32> to vector<128x1x128xf32>
    %exp3A = math.exp %get3A_4 : vector<128x8x128xf32>
    %reduce_sum3A = arith.constant dense<0.000000e+00> : vector<128x128xf32>
    %reduce_sum3A_8 = vector.multi_reduction <add>, %exp3A, %reduce_sum3A [1] : vector<128x8x128xf32> to vector<128x128xf32>
    %broadcast_in_dim3A = vector.shape_cast %reduce_sum3A_8 : vector<128x128xf32> to vector<128x1x128xf32>
    %div3A = arith.divf %reshape3A, %broadcast_in_dim3A : vector<128x1x128xf32>
    %reduce_max3A = arith.constant dense<0xFF800000> : vector<128x128xf32>
    %reduce_max3A_9 = vector.multi_reduction <maximumf>, %get3A_4, %reduce_max3A [1] : vector<128x8x128xf32> to vector<128x128xf32>
    %broadcast_in_dim3A_10 = vector.shape_cast %reduce_max3A_9 : vector<128x128xf32> to vector<128x1x128xf32>
    %eq3A_11 = vector.broadcast %broadcast_in_dim3A_10 : vector<128x1x128xf32> to vector<128x8x128xf32>
    %eq3A_12 = arith.cmpf oeq, %get3A_4, %eq3A_11 : vector<128x8x128xf32>
    %jit3A = arith.constant 1.000000e+00 : f32
    %jit3A_13 = arith.constant 0.000000e+00 : f32
    %broadcast_in_dim3A_14 = vector.broadcast %jit3A : f32 to vector<128x8x128xf32>
    %broadcast_in_dim3A_15 = vector.broadcast %jit3A_13 : f32 to vector<128x8x128xf32>
    %select_n3A = arith.select %eq3A_12, %broadcast_in_dim3A_14, %broadcast_in_dim3A_15 : vector<128x8x128xi1>, vector<128x8x128xf32>
    %reduce_sum3A_16 = arith.constant dense<0.000000e+00> : vector<128x128xf32>
    %reduce_sum3A_17 = vector.multi_reduction <add>, %select_n3A, %reduce_sum3A_16 [1] : vector<128x8x128xf32> to vector<128x128xf32>
    %broadcast_in_dim3A_18 = vector.shape_cast %reduce_sum3A_17 : vector<128x128xf32> to vector<128x1x128xf32>
    %jit3A_19 = arith.constant -3.000000e+38 : f32
    %broadcast_in_dim3A_20 = vector.broadcast %jit3A_19 : f32 to vector<128x8x128xf32>
    %select_n3A_21 = arith.select %eq3A_12, %broadcast_in_dim3A_20, %get3A_4 : vector<128x8x128xi1>, vector<128x8x128xf32>
    %reduce_max3A_22 = arith.constant dense<0xFF800000> : vector<128x128xf32>
    %reduce_max3A_23 = vector.multi_reduction <maximumf>, %select_n3A_21, %reduce_max3A_22 [1] : vector<128x8x128xf32> to vector<128x128xf32>
    %broadcast_in_dim3A_24 = vector.shape_cast %reduce_max3A_23 : vector<128x128xf32> to vector<128x1x128xf32>
    %ge3A = arith.constant 2.000000e+00 : f32
    %ge3A_25 = vector.broadcast %ge3A : f32 to vector<128x1x128xf32>
    %ge3A_26 = arith.cmpf oge, %broadcast_in_dim3A_18, %ge3A_25 : vector<128x1x128xf32>
    %select_n3A_27 = arith.select %ge3A_26, %broadcast_in_dim3A_10, %broadcast_in_dim3A_24 : vector<128x1x128xi1>, vector<128x1x128xf32>
    %ge3A_28 = vector.broadcast %select_n3A_27 : vector<128x1x128xf32> to vector<128x8x128xf32>
    %ge3A_29 = arith.cmpf oge, %get3A_4, %ge3A_28 : vector<128x8x128xf32>
    %jit3A_30 = arith.constant 0.000000e+00 : f32
    %broadcast_in_dim3A_31 = vector.shape_cast %reshape3A : vector<128x1x128xf32> to vector<128x1x128xf32>
    %broadcast_in_dim3A_32 = vector.broadcast %broadcast_in_dim3A_31 : vector<128x1x128xf32> to vector<128x8x128xf32>
    %broadcast_in_dim3A_33 = vector.broadcast %jit3A_30 : f32 to vector<128x8x128xf32>
    %select_n3A_34 = arith.select %ge3A_29, %broadcast_in_dim3A_32, %broadcast_in_dim3A_33 : vector<128x8x128xi1>, vector<128x8x128xf32>
    %reduce_sum3A_35 = arith.constant dense<0.000000e+00> : vector<8x128xf32>
    %reduce_sum3A_36 = vector.multi_reduction <add>, %select_n3A_34, %reduce_sum3A_35 [0] : vector<128x8x128xf32> to vector<8x128xf32>
    %mul3A = vector.broadcast %div3A : vector<128x1x128xf32> to vector<128x8x128xf32>
    %mul3A_37 = arith.mulf %exp3A, %mul3A : vector<128x8x128xf32>
    %reduce_sum3A_38 = arith.constant dense<0.000000e+00> : vector<8x128xf32>
    %reduce_sum3A_39 = vector.multi_reduction <add>, %mul3A_37, %reduce_sum3A_38 [0] : vector<128x8x128xf32> to vector<8x128xf32>
    %reduce_sum3A_40 = arith.constant dense<0.000000e+00> : vector<1x128xf32>
    %reduce_sum3A_41 = vector.multi_reduction <add>, %reshape3A, %reduce_sum3A_40 [0] : vector<128x1x128xf32> to vector<1x128xf32>
    %concatenate3A = tpu.concatenate %reduce_sum3A_36, %reduce_sum3A_39, %reduce_sum3A_41 in 0 : vector<8x128xf32>, vector<8x128xf32>, vector<1x128xf32> -> vector<17x128xf32>
    %eq3A_42 = arith.constant 0 : i32
    %eq3A_43 = arith.cmpi eq, %arg0, %eq3A_42 : i32
    %convert_element_type3A_44 = arith.extui %eq3A_43 : i1 to i32
    %cond3A_45 = arith.constant 0 : i32
    %cond3A_46 = arith.cmpi ne, %convert_element_type3A_44, %cond3A_45 : i32
    scf.if %cond3A_46 {
      %swap3A = arith.constant 0 : index
      %swap3A_51 = arith.constant 0 : index
      %swap3A_52 = vector.load %arg3[%swap3A, %swap3A_51] : memref<17x128xf32, #tpu.memory_space<vmem>>, vector<17x128xf32>
      tpu.vector_store %arg3[%swap3A, %swap3A_51], %concatenate3A {strides = array<i32>} : memref<17x128xf32, #tpu.memory_space<vmem>>, vector<17x128xf32>,
    } else {
    }
    %gt3A = arith.constant 0 : i32
    %gt3A_47 = arith.cmpi sgt, %arg0, %gt3A : i32
    %convert_element_type3A_48 = arith.extui %gt3A_47 : i1 to i32
    %cond3A_49 = arith.constant 0 : i32
    %cond3A_50 = arith.cmpi ne, %convert_element_type3A_48, %cond3A_49 : i32
    scf.if %cond3A_50 {
      %get3A_51 = arith.constant 0 : index
      %get3A_52 = arith.constant 0 : index
      %get3A_53 = vector.load %arg3[%get3A_51, %get3A_52] : memref<17x128xf32, #tpu.memory_space<vmem>>, vector<17x128xf32>
      %add3A = arith.addf %get3A_53, %concatenate3A : vector<17x128xf32>
      %swap3A = arith.constant 0 : index
      %swap3A_54 = arith.constant 0 : index
      %swap3A_55 = vector.load %arg3[%swap3A, %swap3A_54] : memref<17x128xf32, #tpu.memory_space<vmem>>, vector<17x128xf32>
      tpu.vector_store %arg3[%swap3A, %swap3A_54], %add3A {strides = array<i32>} : memref<17x128xf32, #tpu.memory_space<vmem>>, vector<17x128xf32>,
    } else {
    }
    return
  }
  func.func @transform_0(%arg0: i32) -> (i32, i32, i32) {
    %add3A = arith.constant 2 : i32
    %add3A_0 = arith.addi %add3A, %arg0 : i32
    %c0_i32 = arith.constant 0 : i32
    %c0_i32_1 = arith.constant 0 : i32
    %c0_i32_2 = arith.constant 0 : i32
    return %add3A_0, %c0_i32, %c0_i32_1 : i32, i32, i32
  }
  func.func @transform_1(%arg0: i32) -> (i32, i32) {
    %c0_i32 = arith.constant 0 : i32
    %c0_i32_0 = arith.constant 0 : i32
    %c0_i32_1 = arith.constant 0 : i32
    return %c0_i32, %c0_i32_0 : i32, i32
  }
  func.func @transform_2(%arg0: i32) -> (i32, i32) {
    %c0_i32 = arith.constant 0 : i32
    %c0_i32_0 = arith.constant 0 : i32
    %c0_i32_1 = arith.constant 0 : i32
    return %c0_i32, %c0_i32_0 : i32, i32
  }
}

</mosaic_0001>

<sc_bundles>
// kernel: kernel.5.cloned.1.call-start
scs
__scs_entry_jumppad:
0x0: {  	(pc) =	sbr.rel $0x88, $3  }
0x1: {  	(tag) =	ssettag $0x0;
	lr =	simm.s32 $0x1  }
0x2: {  	[smem:$0x3F9F] =	sst lr;
	_ =	strace $0xD0000000  }
0x3: {  	_ = 	snop  }
0x4: {  	_ = 	snop  }
0x5: {  	_ = 	snop  }
0x6: {  	_ = 	snop  }
0x7: {  	_ = 	snop  }
__scs_overlays_trampoline_lowered:
0x8: {  	[smem:$0x3FAE] =	sst s0  }
0x9: {  	[smem:$0x3FAF] =	sst s1  }
0xa: {  	[smem:$0x3FB0] =	sst s2  }
0xb: {  	[smem:$0x3FB1] =	sst s3  }
0xc: {  	[smem:$0x3FB2] =	sst s4  }
0xd: {  	[smem:$0x3FB3] =	sst s5  }
0xe: {  	[smem:$0x3FB4] =	sst s6  }
0xf: {  	[smem:$0x3FB5] =	sst s7  }
0x10: {  	[smem:$0x3FB6] =	sst s8  }
0x11: {  	[smem:$0x3FB7] =	sst s9;
	s0 =	simm.s32 @!p0 $0x0  }
0x12: {  	s1 =	sld [smem:$0x3F9D];
	s0 =	simm.s32 @p0 $0x1  }
0x13: {  	[smem:$0x3FB8] =	sst s0;
	s0 =	simm.s32 @!p1 $0x0  }
0x14: {  	s2 =	sld [smem:$0x3F9C];
	s0 =	simm.s32 @p1 $0x1  }
0x15: {  	[smem:$0x3FB9] =	sst s0;
	s0 =	simm.s32 @!p2 $0x0  }
0x16: {  	s3 =	sld [smem:$0x3FDB];
	s0 =	simm.s32 @p2 $0x1  }
0x17: {  	s4 =	simm.s32 $0x1BF5;
	[smem:$0x3FBB] =	sst s0  }
0x18: {  	s0 =	sld [smem:$0x3F9E];
	_ =	swait.ge [sflag:s4], $0x0  }
0x19: {  	s7 =	sld [smem:$0x3F9F]  }
0x1a: {  	s8 =	sadd.s32 $0xFFFFE003, lr  }
0x1b: {  	s9 =	sadd.s32 $0xFFFFFEF7, lr;
	s5 =	simm.s32 $0xFFFFFFFF;
	p2 =	slt.u32 s8, $0xFFFFF086  }
0x1c: {  	p1 =	slt.u32 s9, $0xF7A;
	s5 =	simm.s32 @!p2 $0x0  }
0x1d: {  	s5 =	simm.s32 @p1 $0x1;
	p0 =	seq.s32 s7, s2  }
0x1e: {  	s7 =	smul.u32 @!p0 $0xF7A, s2;
	p2 =	seq.s32 @!p0 s5, $0x0  }
0x1f: {  	s9 =	smul.u32 $0xF7A, s1;
	s8 =	simm.s32 @!p0 $0x1BF5;
	p2 =	por !p2, p0  }
0x20: {  	[sflag:s8] =	ssyncset.s32 @!p0 $0xFFFFF086;
	s6 =	sadd.s32 @!p0 s3, s7;
	s7 =	simm.s32 @!p0 $0x108  }
0x21: {  	s3 =	sadd.s32 s3, s9;
	s6 =	sadd.s32 @!p0 $0x88, s6;
	s7 =	simm.s32 @p2 $0x1082  }
0x22: {  	[simem:s7], [sflag:s8] =	dma.local @!p0 [hbm:s6], $0xF7A  }
0x23: {  	s9 =	sor.u32 $0xD0000000, s2;
	s6 =	simm.s32 $0x108;
	_ =	swait.ge @!p0 [sflag:s8], $0x0  }
0x24: {  	s3 =	sadd.s32 $0x88, s3;
	s6 =	simm.s32 @!p1 $0x1082;
	[sflag:s4] =	ssyncset.s32 $0xFFFFF086  }
0x25: {  	[simem:s6], [sflag:s4] =	dma.local [hbm:s3], $0xF7A  }
0x26: {  	[smem:$0x3F9F] =	sst s1;
	(tag) =	ssettag s2;
	_ =	strace s9  }
0x27: {  	s1 =	sld [smem:$0x3FAF]  }
0x28: {  	s2 =	sld [smem:$0x3FB0]  }
0x29: {  	s4 =	sld [smem:$0x3FB2]  }
0x2a: {  	p0 =	seq.s32 s5, $0x0;
	s5 =	sld [smem:$0x3FB3]  }
0x2b: {  	s6 =	sld [smem:$0x3FB4]  }
0x2c: {  	s7 =	sld [smem:$0x3FB5]  }
0x2d: {  	s3 =	simm.s32 $0x108;
	s8 =	sld [smem:$0x3FB6]  }
0x2e: {  	s3 =	simm.s32 @!p0 $0x1082;
	s9 =	sld [smem:$0x3FB7]  }
0x2f: {  	lr =	sadd.s32 s0, s3;
	s0 =	sld [smem:$0x3FAE]  }
0x30: {  	s3 =	sld [smem:$0x3FB1]  }
0x31: {  	[smem:$0x3FBA] =	sst s10  }
0x32: {  	s10 =	sld [smem:$0x3FB8];
	_ =	sdelay $0x3  }
0x33: {  	p0 =	seq.s32 s10, $0x1;
	s10 =	sld [smem:$0x3FBA];
	_ =	sdelay $0x3  }
0x34: {  	[smem:$0x3FBA] =	sst s10  }
0x35: {  	s10 =	sld [smem:$0x3FB9];
	_ =	sdelay $0x3  }
0x36: {  	p1 =	seq.s32 s10, $0x1;
	s10 =	sld [smem:$0x3FBA];
	_ =	sdelay $0x3  }
0x37: {  	[smem:$0x3FBA] =	sst s10  }
0x38: {  	s10 =	sld [smem:$0x3FBB]  }
0x39: {  	_ = 	snop;
	(pc) =	sbr.ind lr, $3  }
0x3a: {  	_ = 	snop  }
0x3b: {  	_ = 	snop  }
0x3c: {  	p2 =	seq.s32 s10, $0x1;
	s10 =	sld [smem:$0x3FBA]  }
0x3d: {  	_ =	shalt  }
0x3e: {  	_ =	shalt  }
0x3f: {  	_ =	shalt  }
0x40: {  	_ =	shalt  }
0x41: {  	_ =	shalt  }
0x42: {  	_ =	shalt  }
0x43: {  	_ =	shalt  }
0x44: {  	_ =	shalt  }
0x45: {  	_ =	shalt  }
0x46: {  	_ =	shalt  }
0x47: {  	_ =	shalt  }
0x48: {  	_ =	shalt  }
0x49: {  	_ =	shalt  }
0x4a: {  	_ =	shalt  }
0x4b: {  	_ =	shalt  }
0x4c: {  	_ =	shalt  }
0x4d: {  	_ =	shalt  }
0x4e: {  	_ =	shalt  }
0x4f: {  	_ =	shalt  }
0x50: {  	_ =	shalt  }
0x51: {  	_ =	shalt  }
0x52: {  	_ =	shalt  }
0x53: {  	_ =	shalt  }
0x54: {  	_ =	shalt  }
0x55: {  	_ =	shalt  }
0x56: {  	_ =	shalt  }
0x57: {  	_ =	shalt  }
0x58: {  	_ =	shalt  }
0x59: {  	_ =	shalt  }
0x5a: {  	_ =	shalt  }
0x5b: {  	_ =	shalt  }
0x5c: {  	_ =	shalt  }
0x5d: {  	_ =	shalt  }
0x5e: {  	_ =	shalt  }
0x5f: {  	_ =	shalt  }
0x60: {  	_ =	shalt  }
0x61: {  	_ =	shalt  }
0x62: {  	_ =	shalt  }
0x63: {  	_ =	shalt  }
0x64: {  	_ =	shalt  }
0x65: {  	_ =	shalt  }
0x66: {  	_ =	shalt  }
0x67: {  	_ =	shalt  }
0x68: {  	_ =	shalt  }
0x69: {  	_ =	shalt  }
0x6a: {  	_ =	shalt  }
0x6b: {  	_ =	shalt  }
0x6c: {  	_ =	shalt  }
0x6d: {  	_ =	shalt  }
0x6e: {  	_ =	shalt  }
0x6f: {  	_ =	shalt  }
0x70: {  	_ =	shalt  }
0x71: {  	_ =	shalt  }
0x72: {  	_ =	shalt  }
0x73: {  	_ =	shalt  }
0x74: {  	_ =	shalt  }
0x75: {  	_ =	shalt  }
0x76: {  	_ =	shalt  }
0x77: {  	_ =	shalt  }
0x78: {  	_ =	shalt  }
0x79: {  	_ =	shalt  }
0x7a: {  	_ =	shalt  }
0x7b: {  	_ =	shalt  }
0x7c: {  	_ =	shalt  }
0x7d: {  	_ =	shalt  }
0x7e: {  	_ =	shalt  }
0x7f: {  	_ =	shalt  }
0x80: {  	_ =	shalt  }
0x81: {  	_ =	shalt  }
0x82: {  	_ =	shalt  }
0x83: {  	_ =	shalt  }
0x84: {  	_ =	shalt  }
0x85: {  	_ =	shalt  }
0x86: {  	_ =	shalt  }
0x87: {  	_ =	shalt  }
.Lfunc_end0:
.L_simem_size_0:
called_computation_lowered:
.L_overlay_start_0:
0x88: {  	s2 =	sld [smem:$0x3FD9]  }
0x89: {  	s3 =	sld [smem:$0x3FFE];
	_ =	sdelay $0x1  }
0x8a: {  	s1 =	srdreg.scid  }
0x8b: {  	s0 =	sand.u32 $0x1, s1  }
0x8c: {  	s17 =	sshll.u32 s0, $0xA;
	s2 =	sadd.s32 s3, s2  }
0x8d: {  	s2 =	sadd.s32 s2, s17  }
0x8e: {  	[smem:$0x3FC6] =	sst s2  }
0x8f: {  	_ = 	snop  }
0x90: {  	s2 =	sld [smem:$0x3FC9]  }
0x91: {  	s18 =	sld [smem:$0x3FC8];
	(tm) =	ssettm $0x1  }
0x92: {  	s4 =	sld [smem:$0x3FFB];
	_ =	sdelay $0x3  }
0x93: {  	_ =	strace s4  }
0x94: {  	s4 =	sld [smem:$0x3FFC];
	_ =	sdelay $0x3  }
0x95: {  	_ =	strace s4  }
0x96: {  	s4 =	sld [smem:$0x3FFD];
	_ =	sdelay $0x3  }
0x97: {  	_ =	strace s4  }
0x98: {  	_ =	strace $0x8FFFFFFF  }
0x99: {  	s19 =	sld [smem:$0x3FDB];
	_ =	sdelay $0x1  }
0x9a: {  	s5 =	simm.s32 $_scs_section_size  }
0x9b: {  	s6 =	simm.s32 $_size__tile_overlayer_lowered;
	s7 =	simm.s32 $_tile_overlayer_lowered  }
0x9c: {  	s22 =	simm.s32 $0x1BFF;
	s21 =	sshll.u32 s7, $0x1;
	s4 =	sadd.s32 s5, s19  }
0x9d: {  	s8 =	simm.s32 $0x0;
	s20 =	sshll.u32 s6, $0x1;
	s6 =	sadd.s32 s21, s4  }
0x9e: {  	[timem:s8], [sflag:s22] =	dma.local [hbm:s6], s20  }
0x9f: {  	_ =	swait.ge [sflag:s22], s20  }
0xa0: {  	s5 =	ssub.s32 $0x0, s20;
	[sflag:s22] =	ssyncset.done $0x0  }
0xa1: {  	[sflag:s22] =	ssyncadd.s32 s5;
	_ =	sdelay $0x1  }
0xa2: {  	s23 =	simm.s32 $0x1B8B  }
0xa3: {  	_ =	swait.ge [sflag:s23], $0x1  }
0xa4: {  	[sflag:s23] =	ssyncset.done $0x0  }
0xa5: {  	s25 =	simm.s32 $0x1B8E;
	s24 =	sld [smem:$0x3FFE];
	[sflag:s23] =	ssyncadd.s32 $0xFFFFFFFF  }
0xa6: {  	s26 =	simm.s32 $execute0_lowered;
	[smem:$0x3FD2] =	sst s25  }
0xa7: {  	s6 =	sshll.u32 s26, $0x1;
	_ =	strace $0x80000046;
	[dreg:$0x1] =	wrdreg $0xFFFFFFFF  }
0xa8: {  	s28 =	simm.s32 $_size_execute0_lowered;
	s4 =	sadd.s32 s4, s6;
	[dreg:$0x0] =	wrdreg $0x0  }
0xa9: {  	s6 =	sshll.u32 s28, $0x1;
	[dreg:$0x2] =	wrdreg s4  }
0xaa: {  	[dreg:$0x3] =	wrdreg s6  }
0xab: {  	[dreg:$0x4] =	wrdreg $0xC0  }
0xac: {  	_ =	task [dreg:s8], $0x5FFFF  }
0xad: {  	[dreg:$0x1] =	wrdreg $0xFFFFFFFF  }
0xae: {  	[dreg:$0x0] =	wrdreg $0x60  }
0xaf: {  	[dreg:$0x2] =	wrdreg s2  }
0xb0: {  	[dreg:$0x3] =	wrdreg s18  }
0xb1: {  	[dreg:$0x4] =	wrdreg s24  }
0xb2: {  	[dreg:$0x5] =	wrdreg $0x9  }
0xb3: {  	_ =	task.clear_ibuf [dreg:s8], $0x6FFFF;
	_ =	strace $0x90000046  }
0xb4: {  	s29 =	simm.s32 $0x9;
	_ =	strace $0x80000048  }
0xb5: {  	_ =	swait.ge [sflag:s29], $0x1  }
0xb6: {  	[sflag:s29] =	ssyncadd.s32 $0xFFFFFFFF  }
0xb7: {  	_ =	strace $0x90000048  }
0xb8: {  	_ =	sfence  }
0xb9: {  	s30 =	sld [smem:$0x0];
	_ =	sdelay $0x2  }
0xba: {  	s31 =	sshll.u32 s1, $0xD;
	s1 =	sshrl.u32 s1, $0x2  }
0xbb: {  	s3 =	sand.u32 $0x4000, s31;
	s1 =	sadd.s32 s1, s30  }
0xbc: {  	s0 =	sor.u32 s3, s0;
	s1 =	sshll.u32 s1, $0x11  }
0xbd: {  	s0 =	sor.u32 s1, s0  }
0xbe: {  	s0 =	sadd.s32 $0x8F2B, s0  }
0xbf: {  	[sflag:s0] =	ssyncadd.remote.s32 $0x1  }
0xc0: {  	_ =	sfence.sel $0xFFFF  }
0xc1: {  	[dreg:$0x0] =	wrdreg $0xFFFFFFFF;
	(pc) =	sbr.abs _section_cstart, $3  }
0xc2: {  	[dreg:$0x1] =	wrdreg $0xFFFFFFFF  }
0xc3: {  	_ =	task.clear_ibuf [dreg:s8], $0x2FFFF;
	_ =	strace $0x9FFFFFFF  }
0xc4: {  	(tm) =	ssettm $0x7FFFFFFF  }
0xc5: {  	_ =	shalt  }
tec
execute0_lowered:
.L_overlay_start_1:
0x0: {  	(tag) =	ssettag $0x1  }
0x1: {  	s4 =	rddreg [dreg:$0x0]  }
0x2: {  	s2 =	rddreg [dreg:$0x1]  }
0x3: {  	s0 =	srdreg.scid;
	s6 =	rddreg [dreg:$0x2]  }
0x4: {  	s3 =	simm.s32 $0x0;
	s10 =	simm.s32 $0x4000;
	s11 =	simm.s32 $0x0  }
0x5: {  	s5 =	sand.u32 $0x1, s0;
	s0 =	stileid.u32;
	[smem:$0x7FF] =	sst s3  }
0x6: {  	s1 =	sshll.u32 s5, $0x4;
	s5 =	ssub.s32 $0x2, s5;
	s31 =	sshll.u32 s0, $0x3  }
0x7: {  	s9 =	sshll.u32 s0, $0x6;
	s7 =	sor.u32 s0, s1;
	s1 =	rddreg [dreg:$0x3]  }
0x8: {  	_ =	strace $0x80000047;
	s8 =	smul.u32 $0x180, s7;
	s7 =	sshll.u32 s7, $0xA  }
0x9: {  	s30 =	sshrl.u32 s5, $0x1;
	s9 =	sand.u32 $0x180, s9;
	s4 =	sadd.s32 s4, s7  }
0xa: {  	s6 =	sadd.s32 s8, s6;
	s8 =	ssub.s32 s5, s30;
	s5 =	sand.u32 $0x8, s31  }
0xb: {  	[dreg:$0x4] =	wrdreg s5;
	s5 =	sor.u32 $0x2000, s9;
	s6 =	sadd.s32 $0xA00, s6  }
0xc: {  	v0 =	vimm.f32 $0.0e+00;
	s7 =	smax.u32 s8, $0x1;
	s8 =	simm.s32 $0x1;
	s9 =	simm.s32 $0x2000  }
.LBB2_1:
0xd: {  	[tilespmem:s3], [sflag:$0x1] =	stream.linear.gather [hbm4b:s4+s3], $0x2000, $0x38;
	[tilespmem:$0x4C00] =	vst v63  }
0xe: {  	_ =	swait.ge [sflag:s8], $0x2000  }
0xf: {  	[sflag:s8] =	ssyncset.done $0x0  }
0x10: {  	[sflag:s8] =	ssyncadd.s32 $0xFFFFE000  }
0x11: {  	[tilespmem:s9], [sflag:$0x1] =	stream.linear.gather [hbm4b:s2+s3], $0x2000, $0x38;
	[tilespmem:$0x4C00] =	vst v63  }
0x12: {  	s13 =	simm.s32 $0x0;
	_ =	swait.ge [sflag:s8], $0x2000  }
0x13: {  	s12 =	sand.u32 $0x70, s3;
	s13 =	sand.u32 $0x3FFFFC00, s13;
	[sflag:s8] =	ssyncset.done $0x0  }
0x14: {  	s13 =	sor.u32 s12, s13;
	[sflag:s8] =	ssyncadd.s32 $0xFFFFE000  }
0x15: {  	v6 =	vld [tilespmem:s13+$0x380]  }
0x16: {  	v18 =	vld [tilespmem:s13+$0x80]  }
0x17: {  	v15 =	vld [tilespmem:s13+$0x200]  }
0x18: {  	v19 =	vld [tilespmem:s13+$0x280]  }
0x19: {  	v16 =	vld [tilespmem:s13+$0x180]  }
0x1a: {  	v20 =	vld [tilespmem:s13+$0x100]  }
0x1b: {  	v13 =	vld [tilespmem:s13+$0x0]  }
0x1c: {  	v21 =	vld [tilespmem:s13+$0x300];
	_ =	sdelay $0x1  }
0x1d: {  	v1 =	vmul.f32 $1.442695020e+00, v6;
	v2 =	vmul.f32 $1.442695020e+00, v18  }
0x1e: {  	v3 =	vmul.f32 $1.442695020e+00, v15;
	v4 =	vmul.f32 $1.442695020e+00, v19  }
0x1f: {  	v5 =	vmax.f32 v15, v19;
	v7 =	vmul.f32 $1.442695020e+00, v16;
	v8 =	vmax.f32 v13, v18  }
0x20: {  	v9 =	vmax.f32 v21, v6;
	v10 =	vmax.f32 v20, v16;
	(erf) = vpow2.f32 v1  }
0x21: {  	v5 =	vmax.f32 v5, v9;
	v1 =	vmul.f32 $1.442695020e+00, v20;
	(erf) = vpow2.f32 v2  }
0x22: {  	v2 =	vmax.f32 v8, v10;
	(erf) = vpow2.f32 v3;
	v3 =	vmul.f32 $1.442695020e+00, v13  }
0x23: {  	v8 =	vmax.f32 v2, v5;
	v2 =	vmul.f32 $1.442695020e+00, v21;
	(erf) = vpow2.f32 v7  }
0x24: {  	vm0 =	veq.f32 v18, v8;
	vm1 =	veq.f32 v15, v8;
	vm2 =	veq.f32 v13, v8  }
0x25: {  	vm3 =	veq.f32 v21, v8;
	vm6 =	veq.f32 v20, v8;
	vm7 =	veq.f32 v6, v8  }
0x26: {  	vm8 =	veq.f32 v16, v8;
	vm9 =	veq.f32 v19, v8;
	(erf) = vpow2.f32 v1  }
0x27: {  	v9 =	vsel vm0, $0xFF61B1E6, v18;
	v1 =	vsel vm0, $0x3F800000, v0;
	v5 =	vsel vm3, $0x3F800000, v0  }
0x28: {  	v10 =	vsel vm2, $0xFF61B1E6, v13;
	v11 =	vsel vm1, $0x3F800000, v0;
	v7 =	vsel vm6, $0x3F800000, v0  }
0x29: {  	s29 =	rddreg [dreg:$0x4];
	v22 =	vsel vm8, $0x3F800000, v0;
	v23 =	vsel vm7, $0x3F800000, v0;
	(erf) = vpow2.f32 v3  }
0x2a: {  	s13 =	sadd.s32 $0x0, s29;
	v24 =	vsel vm9, $0x3F800000, v0;
	v22 =	vadd.f32 v22, v7;
	(erf) = vpow2.f32 v2  }
0x2b: {  	s13 =	sshll.u32 s13, $0x9;
	v23 =	vadd.f32 v23, v5;
	(erf) = vpow2.f32 v4;
	v4 =	vsel vm2, $0x3F800000, v0  }
0x2c: {  	s13 =	sand.u32 $0x3FFFFE00, s13;
	v12 =	vsel vm3, $0xFF61B1E6, v21;
	v11 =	vadd.f32 v24, v11;
	v14 =	vadd.f32 v1, v4  }
0x2d: {  	s13 =	sadd.s32 s13, s5;
	v17 =	vsel vm1, $0xFF61B1E6, v15;
	v25 =	vsel vm7, $0xFF61B1E6, v6;
	v27 =	vsel vm6, $0xFF61B1E6, v20;
	v2 =	vpop (erf)  }
0x2e: {  	s14 =	simm.s32 $0x80;
	s13 =	sadd.s32 s12, s13;
	s12 =	simm.s32 $0x10;
	v10 =	vmax.f32 v10, v9;
	v11 =	vadd.f32 v23, v11;
	v3 =	vpop (erf);
	v9 =	vadd.f32 v22, v14  }
0x2f: {  	s14 =	sand.u32 $0x3FFFFC00, s14;
	s30 =	sand.u32 $0x70, s12;
	v24 =	vsel vm8, $0xFF61B1E6, v16;
	v25 =	vmax.f32 v12, v25;
	v22 =	vld [tilespmem:s13+$0x0];
	v14 =	vsel vm9, $0xFF61B1E6, v19;
	v4 =	vpop (erf)  }
0x30: {  	s14 =	sor.u32 s30, s14;
	v24 =	vmax.f32 v27, v24;
	v17 =	vmax.f32 v17, v14;
	v1 =	vpop (erf);
	v11 =	vadd.f32 v11, v9  }
0x31: {  	v24 =	vmax.f32 v10, v24;
	v10 =	vld [tilespmem:s14+$0x80];
	v17 =	vmax.f32 v17, v25;
	v7 =	vpop (erf)  }
0x32: {  	v17 =	vmax.f32 v24, v17;
	v5 =	vpop (erf);
	vm10 =	vge.f32 v11, $2.000000000e+00  }
0x33: {  	v14 =	vld [tilespmem:s14+$0x380];
	v26 =	vadd.f32 v1, v7;
	v23 =	vadd.f32 v3, v5;
	v12 =	vpop (erf);
	v24 =	vsel vm10, v8, v17  }
0x34: {  	v11 =	vld [tilespmem:s14+$0x200];
	v28 =	vcvt.s32.f32 v22;
	v27 =	vadd.f32 v2, v12;
	vm0 =	vge.f32 v13, v24  }
0x35: {  	v8 =	vld [tilespmem:s14+$0x280];
	vm11 =	vge.f32 v15, v24;
	vm12 =	vge.f32 v6, v24;
	vm13 =	vge.f32 v20, v24  }
0x36: {  	v17 =	vld [tilespmem:s14+$0x100];
	v9 =	vpop (erf);
	vm14 =	vge.f32 v16, v24;
	vm15 =	vge.f32 v21, v24;
	v21 =	vmul.f32 $1.442695020e+00, v10  }
0x37: {  	v13 =	vld [tilespmem:s14+$0x180];
	vm8 =	vge.f32 v18, v24;
	vm9 =	vge.f32 v19, v24;
	v25 =	vadd.f32 v9, v4  }
0x38: {  	v20 =	vld [tilespmem:s14+$0x0];
	v22 =	vadd.f32 v26, v23;
	v6 =	vnsel vm0, $0x0, v28;
	v26 =	vmul.f32 $1.442695020e+00, v14  }
0x39: {  	v15 =	vld [tilespmem:s14+$0x300];
	v29 =	vnsel vm13, $0x0, v28;
	v24 =	vnsel vm14, $0x0, v28;
	v53 =	vnsel vm9, $0x0, v28  }
0x3a: {  	v16 =	vadd.f32 v6, v0;
	v23 =	vadd.f32 v27, v25;
	v6 =	vmul.f32 $1.442695020e+00, v11  }
0x3b: {  	v25 =	vnsel vm11, $0x0, v28;
	(erf) = vpow2.f32 v26;
	v30 =	vmul.f32 $1.442695020e+00, v8  }
0x3c: {  	v27 =	vnsel vm12, $0x0, v28;
	v19 =	vmul.f32 $1.442695020e+00, v17;
	(erf) = vpow2.f32 v21  }
0x3d: {  	v18 =	vmax.f32 v11, v8;
	v31 =	vmul.f32 $1.442695020e+00, v13;
	v26 =	vmul.f32 $1.442695020e+00, v20  }
0x3e: {  	v32 =	vmax.f32 v20, v10;
	v33 =	vmul.f32 $1.442695020e+00, v15;
	v34 =	vmax.f32 v15, v14  }
0x3f: {  	v35 =	vmax.f32 v17, v13;
	(erf) = vpow2.f32 v6;
	v6 =	vadd.f32 v28, v0  }
0x40: {  	v22 =	vadd.f32 v23, v22;
	v21 =	vmax.f32 v32, v35;
	v60 =	vmax.f32 v18, v34  }
0x41: {  	v18 =	vadd.f32 v24, v0;
	v24 =	vnsel vm8, $0x0, v28;
	v35 =	vimm.f32 $0.0e+00  }
0x42: {  	v34 =	vmax.f32 v21, v60;
	(erf) = vpow2.f32 v31;
	v24 =	vadd.f32 v24, v0  }
0x43: {  	vm10 =	veq.f32 v10, v34;
	(erf) = vpow2.f32 v19;
	v19 =	vadd.f32 v25, v0  }
0x44: {  	vm4 =	veq.f32 v11, v34;
	vm5 =	veq.f32 v20, v34;
	vm11 =	veq.f32 v15, v34  }
0x45: {  	vm12 =	veq.f32 v17, v34;
	vm13 =	veq.f32 v14, v34;
	vm14 =	veq.f32 v13, v34  }
0x46: {  	(erf) = vpow2.f32 v26;
	v25 =	vsel vm10, $0xFF61B1E6, v10;
	v21 =	vsel vm10, $0x3F800000, v0  }
0x47: {  	v26 =	vsel vm11, $0x3F800000, v0;
	v23 =	vsel vm4, $0x3F800000, v0;
	v31 =	vsel vm11, $0xFF61B1E6, v15  }
0x48: {  	v61 =	vsel vm5, $0x3F800000, v0;
	v62 =	vsel vm4, $0xFF61B1E6, v11;
	(erf) = vpow2.f32 v33  }
0x49: {  	v44 =	vsel vm14, $0xFF61B1E6, v13;
	v42 =	vsel vm12, $0x3F800000, v0;
	(erf) = vpow2.f32 v30  }
0x4a: {  	v46 =	vsel vm13, $0x3F800000, v0;
	v32 =	vadd.f32 v21, v61;
	v21 =	vsel vm13, $0xFF61B1E6, v14  }
0x4b: {  	v26 =	vadd.f32 v46, v26;
	v30 =	vsel vm5, $0xFF61B1E6, v20;
	v31 =	vmax.f32 v31, v21;
	v33 =	vpop (erf)  }
0x4c: {  	v21 =	vnsel vm15, $0x0, v28;
	vm15 =	veq.f32 v8, v34;
	(erf) = vrcp.f32 v22;
	v38 =	vpop (erf)  }
0x4d: {  	v47 =	vmax.f32 v30, v25;
	v22 =	vadd.f32 v27, v0;
	v27 =	vsel vm14, $0x3F800000, v0;
	v37 =	vpop (erf)  }
0x4e: {  	v30 =	vsel vm15, $0xFF61B1E6, v8;
	v48 =	vsel vm15, $0x3F800000, v0;
	v27 =	vadd.f32 v27, v42;
	v36 =	vpop (erf)  }
0x4f: {  	v21 =	vadd.f32 v21, v0;
	v30 =	vmax.f32 v62, v30;
	v23 =	vadd.f32 v48, v23;
	v43 =	vpop (erf)  }
0x50: {  	s31 =	rddreg [dreg:$0x4];
	v48 =	vmax.f32 v30, v31;
	v30 =	vadd.f32 v53, v0;
	v49 =	vadd.f32 v27, v32;
	v39 =	vpop (erf)  }
0x51: {  	s14 =	sadd.s32 $0x0, s31;
	v52 =	vsel vm12, $0xFF61B1E6, v17;
	v51 =	vadd.f32 v26, v23;
	v40 =	vpop (erf);
	v25 =	vadd.f32 v38, v39  }
0x52: {  	s14 =	sshll.u32 s14, $0x9;
	v31 =	vimm.f32 $0.0e+00;
	v32 =	vadd.f32 v29, v0;
	v45 =	vadd.f32 v36, v43;
	v41 =	vpop (erf)  }
0x53: {  	s14 =	sand.u32 $0x3FFFFE00, s14;
	v23 =	vimm.f32 $0.0e+00;
	v50 =	vadd.f32 v33, v40;
	v63 =	vadd.f32 v41, v37  }
0x54: {  	s14 =	sadd.s32 s14, s5;
	v27 =	vimm.f32 $0.0e+00;
	v26 =	vimm.f32 $0.0e+00;
	v29 =	vimm.f32 $0.0e+00  }
0x55: {  	s13 =	sadd.s32 s30, s14;
	v42 =	vadd.f32 v45, v25;
	v25 =	vpop (erf);
	v45 =	vadd.f32 v50, v63;
	v50 =	vmax.f32 v52, v44  }
0x56: {  	s16 =	simm.s32 $0x2;
	v44 =	vld [tilespmem:s13+$0x0];
	v46 =	vmul.f32 v28, v25;
	v25 =	vimm.f32 $0.0e+00;
	v28 =	vimm.f32 $0.0e+00  }
.LBB2_2:
0x57: {  	_ = 	snop  }
0x58: {  	v49 =	vadd.f32 v51, v49;
	v51 =	vmul.f32 v46, v7;
	v52 =	vmul.f32 v46, v2  }
0x59: {  	v54 =	vmax.f32 v47, v50;
	v55 =	vmul.f32 v46, v3;
	v56 =	vmul.f32 v46, v12  }
0x5a: {  	s17 =	sshll.u32 s16, $0x7;
	s12 =	sadd.s32 $0x10, s12;
	v2 =	vmovc v33;
	v33 =	vmax.f32 v54, v48;
	v57 =	vmul.f32 v46, v4;
	v60 =	vmul.f32 v46, v9  }
0x5b: {  	s14 =	sand.u32 $0x70, s12;
	s17 =	sand.u32 $0x3FFFFC00, s17;
	v9 =	vmovc v41;
	v41 =	vmul.f32 v46, v1;
	v35 =	vadd.f32 v55, v35;
	v23 =	vadd.f32 v52, v23  }
0x5c: {  	v46 =	vmul.f32 v46, v5;
	s30 =	sor.u32 s14, s17;
	v25 =	vadd.f32 v56, v25;
	v28 =	vadd.f32 v51, v28  }
0x5d: {  	vm0 =	vge.f32 v49, $2.000000000e+00;
	v58 =	vld [tilespmem:s30+$0x380];
	v27 =	vadd.f32 v57, v27;
	v26 =	vadd.f32 v60, v26  }
0x5e: {  	v59 =	vld [tilespmem:s30+$0x80];
	v29 =	vadd.f32 v41, v29;
	v31 =	vadd.f32 v46, v31;
	v33 =	vsel vm0, v34, v33  }
0x5f: {  	v61 =	vld [tilespmem:s30+$0x280];
	v44 =	vcvt.s32.f32 v44;
	vm0 =	vge.f32 v20, v33;
	vm1 =	vge.f32 v11, v33  }
0x60: {  	v11 =	vld [tilespmem:s30+$0x200];
	vm2 =	vge.f32 v14, v33;
	vm14 =	vge.f32 v17, v33;
	vm3 =	vge.f32 v13, v33  }
0x61: {  	v13 =	vld [tilespmem:s30+$0x180];
	vm15 =	vge.f32 v15, v33;
	vm8 =	vge.f32 v10, v33;
	v62 =	vnsel vm0, $0x0, v44  }
0x62: {  	v17 =	vld [tilespmem:s30+$0x100];
	v47 =	vnsel vm1, $0x0, v44;
	v48 =	vnsel vm2, $0x0, v44;
	v6 =	vadd.f32 v44, v6  }
0x63: {  	v20 =	vld [tilespmem:s30+$0x0];
	v52 =	vnsel vm14, $0x0, v44;
	v16 =	vadd.f32 v62, v16;
	v19 =	vadd.f32 v47, v19  }
0x64: {  	v15 =	vld [tilespmem:s30+$0x300];
	vm9 =	vge.f32 v8, v33;
	v22 =	vadd.f32 v48, v22;
	v32 =	vadd.f32 v52, v32  }
0x65: {  	v4 =	vmovc v37;
	v63 =	vmul.f32 $1.442695020e+00, v58;
	v37 =	vmul.f32 $1.442695020e+00, v59;
	v10 =	vmovc v59;
	v59 =	vnsel vm3, $0x0, v44  }
0x66: {  	v7 =	vmovc v43;
	v49 =	vmul.f32 $1.442695020e+00, v61;
	v18 =	vadd.f32 v59, v18;
	v43 =	vmul.f32 $1.442695020e+00, v11  }
0x67: {  	v56 =	vmax.f32 v11, v61;
	v57 =	vmul.f32 $1.442695020e+00, v13;
	(erf) = vpow2.f32 v63  }
0x68: {  	v14 =	vmovc v58;
	v8 =	vmovc v61;
	v58 =	vmul.f32 $1.442695020e+00, v17;
	v60 =	vmul.f32 $1.442695020e+00, v20;
	v61 =	vmax.f32 v20, v10  }
0x69: {  	v62 =	vmul.f32 $1.442695020e+00, v15;
	v63 =	vmax.f32 v15, v14;
	v53 =	vmax.f32 v17, v13  }
0x6a: {  	(erf) = vpow2.f32 v37;
	v54 =	vmax.f32 v61, v53;
	v34 =	vmax.f32 v56, v63  }
0x6b: {  	v56 =	vnsel vm8, $0x0, v44;
	v63 =	vnsel vm15, $0x0, v44;
	(erf) = vpow2.f32 v43  }
0x6c: {  	v34 =	vmax.f32 v54, v34;
	v24 =	vadd.f32 v56, v24;
	v21 =	vadd.f32 v63, v21  }
0x6d: {  	(erf) = vpow2.f32 v57;
	vm10 =	veq.f32 v10, v34;
	vm4 =	veq.f32 v11, v34  }
0x6e: {  	vm5 =	veq.f32 v20, v34;
	vm11 =	veq.f32 v15, v34;
	(erf) = vpow2.f32 v58  }
0x6f: {  	v57 =	vadd.f32 v45, v42;
	vm12 =	veq.f32 v17, v34;
	(erf) = vpow2.f32 v60  }
0x70: {  	v12 =	vmovc v40;
	vm13 =	veq.f32 v14, v34;
	vm14 =	veq.f32 v13, v34;
	(erf) = vpow2.f32 v62  }
0x71: {  	vm15 =	veq.f32 v8, v34;
	v40 =	vsel vm10, $0xFF61B1E6, v10;
	v33 =	vpop (erf);
	(erf) = vpow2.f32 v49  }
0x72: {  	v3 =	vmovc v38;
	v55 =	vsel vm10, $0x3F800000, v0;
	v46 =	vsel vm11, $0x3F800000, v0;
	v41 =	vsel vm5, $0xFF61B1E6, v20  }
0x73: {  	v42 =	vsel vm4, $0x3F800000, v0;
	v58 =	vsel vm11, $0xFF61B1E6, v15;
	v38 =	vpop (erf);
	(erf) = vrcp.f32 v57  }
0x74: {  	v1 =	vmovc v36;
	v5 =	vmovc v39;
	v59 =	vsel vm5, $0x3F800000, v0;
	v50 =	vsel vm14, $0xFF61B1E6, v13;
	v61 =	vsel vm13, $0xFF61B1E6, v14  }
0x75: {  	v56 =	vsel vm14, $0x3F800000, v0;
	v45 =	vadd.f32 v55, v59;
	v55 =	vsel vm13, $0x3F800000, v0;
	v37 =	vpop (erf)  }
0x76: {  	s15 =	smov.u32 s16;
	v59 =	vsel vm15, $0x3F800000, v0;
	v62 =	vsel vm12, $0x3F800000, v0;
	v46 =	vadd.f32 v55, v46;
	v36 =	vpop (erf)  }
0x77: {  	s31 =	rddreg [dreg:$0x4];
	s15 =	sshrl.u32 s15, $0x3;
	v60 =	vsel vm4, $0xFF61B1E6, v11;
	v59 =	vadd.f32 v59, v42;
	v51 =	vadd.f32 v56, v62;
	v43 =	vpop (erf)  }
0x78: {  	p0 =	sne.s32 s16, $0x3F;
	s15 =	sadd.s32 s31, s15;
	v53 =	vmax.f32 v58, v61;
	v47 =	vmax.f32 v41, v40;
	v55 =	vsel vm12, $0xFF61B1E6, v17;
	v39 =	vpop (erf)  }
.Ltmp0:
0x79: {  	s15 =	sshll.u32 s15, $0x9;
	v49 =	vadd.f32 v51, v45;
	v51 =	vadd.f32 v46, v59;
	v57 =	vsel vm15, $0xFF61B1E6, v8;
	v40 =	vpop (erf);
	(pc) =	sbr.rel @p0 .LBB2_2-.Ltmp0, $4  }
0x7a: {  	s15 =	sand.u32 $0x3FFFFE00, s15;
	v56 =	vmax.f32 v60, v57;
	v54 =	vadd.f32 v36, v43;
	v48 =	vadd.f32 v38, v39;
	v41 =	vpop (erf)  }
0x7b: {  	s15 =	sadd.s32 s15, s5;
	v60 =	vnsel vm9, $0x0, v44;
	v58 =	vadd.f32 v33, v40;
	v57 =	vadd.f32 v41, v37  }
0x7c: {  	s13 =	sadd.s32 $0x1, s16;
	s14 =	sadd.s32 s14, s15;
	v50 =	vmax.f32 v55, v50;
	v30 =	vadd.f32 v60, v30;
	v42 =	vadd.f32 v54, v48;
	v61 =	vpop (erf)  }
0x7d: {  	s16 =	smov.u32 s13;
	v48 =	vmax.f32 v56, v53;
	v46 =	vmul.f32 v44, v61;
	v44 =	vld [tilespmem:s14+$0x0];
	v45 =	vadd.f32 v58, v57  }
0x7e: {  	_ = 	snop  }
0x7f: {  	v42 =	vadd.f32 v45, v42  }
0x80: {  	v62 =	vadd.f32 v51, v49;
	v7 =	vmul.f32 v46, v7  }
0x81: {  	v47 =	vmax.f32 v47, v50;
	v2 =	vmul.f32 v46, v2;
	(erf) = vrcp.f32 v42  }
0x82: {  	v3 =	vmul.f32 v46, v3;
	v63 =	vmax.f32 v47, v48;
	v12 =	vmul.f32 v46, v12  }
0x83: {  	v4 =	vmul.f32 v46, v4;
	v9 =	vmul.f32 v46, v9;
	vm0 =	vge.f32 v62, $2.000000000e+00  }
0x84: {  	v34 =	vsel vm0, v34, v63;
	v3 =	vadd.f32 v3, v35;
	v35 =	vcvt.s32.f32 v44  }
0x85: {  	v5 =	vmul.f32 v46, v5;
	vm0 =	vge.f32 v20, v34;
	vm1 =	vge.f32 v11, v34  }
0x86: {  	vm2 =	vge.f32 v14, v34;
	vm3 =	vge.f32 v10, v34;
	v42 =	vnsel vm0, $0x0, v35  }
0x87: {  	vm12 =	vge.f32 v17, v34;
	v10 =	vnsel vm3, $0x0, v35;
	v11 =	vadd.f32 v42, v16  }
0x88: {  	vm13 =	vge.f32 v13, v34;
	v45 =	vnsel vm12, $0x0, v35;
	v10 =	vadd.f32 v10, v24  }
0x89: {  	vm14 =	vge.f32 v15, v34;
	v47 =	vnsel vm13, $0x0, v35;
	v14 =	vadd.f32 v45, v32;
	[tilespmem:$0x4000] =	vst v11  }
0x8a: {  	vm15 =	vge.f32 v8, v34;
	v44 =	vnsel vm1, $0x0, v35;
	v48 =	vadd.f32 v47, v18;
	[tilespmem:$0x4080] =	vst v10;
	v49 =	vpop (erf)  }
0x8b: {  	v51 =	vnsel vm15, $0x0, v35;
	v50 =	vadd.f32 v44, v19;
	[tilespmem:$0x4100] =	vst v14;
	v11 =	vmul.f32 v35, v49  }
0x8c: {  	v5 =	vadd.f32 v5, v31;
	v15 =	vnsel vm14, $0x0, v35;
	v13 =	vadd.f32 v51, v30;
	[tilespmem:$0x4180] =	vst v48  }
0x8d: {  	v52 =	vnsel vm2, $0x0, v35;
	v53 =	vadd.f32 v15, v21;
	[tilespmem:$0x4200] =	vst v50;
	v54 =	vmul.f32 v11, v39  }
0x8e: {  	v1 =	vmul.f32 v46, v1;
	v55 =	vadd.f32 v52, v22;
	[tilespmem:$0x4280] =	vst v13;
	v56 =	vmul.f32 v11, v38  }
0x8f: {  	v7 =	vadd.f32 v7, v28;
	[tilespmem:$0x4300] =	vst v53;
	v57 =	vmul.f32 v11, v43;
	v5 =	vadd.f32 v54, v5  }
0x90: {  	v1 =	vadd.f32 v1, v29;
	[tilespmem:$0x4380] =	vst v55;
	v58 =	vmul.f32 v11, v36;
	v3 =	vadd.f32 v56, v3  }
0x91: {  	v4 =	vadd.f32 v4, v27;
	v59 =	vmul.f32 v11, v37;
	v7 =	vadd.f32 v57, v7;
	[tilespmem:$0x4400] =	vst v5  }
0x92: {  	v2 =	vadd.f32 v2, v23;
	v63 =	vmul.f32 v11, v33;
	v1 =	vadd.f32 v58, v1;
	[tilespmem:$0x4480] =	vst v3  }
0x93: {  	v60 =	vadd.f32 v9, v26;
	v61 =	vmul.f32 v11, v41;
	v4 =	vadd.f32 v59, v4;
	[tilespmem:$0x4500] =	vst v7  }
0x94: {  	v62 =	vmul.f32 v11, v40;
	v2 =	vadd.f32 v63, v2;
	v3 =	vadd.f32 v12, v25;
	[tilespmem:$0x4580] =	vst v1  }
0x95: {  	v5 =	vadd.f32 v61, v60;
	[tilespmem:$0x4600] =	vst v4  }
0x96: {  	[tilespmem:$0x4780] =	vst v2;
	v1 =	vadd.f32 v62, v3  }
0x97: {  	s11 =	sadd.s32 $0x1, s11;
	[tilespmem:$0x4680] =	vst v5;
	v3 =	vadd.f32 v35, v6  }
0x98: {  	p0 =	sne.s32 s11, s7;
	[tilespmem:$0x4700] =	vst v1  }
.Ltmp1:
0x99: {  	[tilespmem:$0x4800] =	vst v3;
	(pc) =	sbr.rel @p0 .LBB2_1-.Ltmp1, $4  }
0x9a: {  	[hbm4b:s6+s3] =	stream.linear.scatter [tilespmem:s10], [sflag:$0x1], $0x880, $0x38;
	[tilespmem:$0x4C00] =	vst v63  }
0x9b: {  	_ =	swait.ge [sflag:s8], $0x880  }
0x9c: {  	[sflag:s8] =	ssyncset.done $0x0  }
0x9d: {  	[sflag:s8] =	ssyncadd.s32 $0xFFFFF780  }
0x9e: {  	_ =	sfence.sel $0x180000  }
0x9f: {  	[bflag:$0x0] =	sbarrier.arrive $0xFFFF  }
0xa0: {  	p0 =	sne.s32 s0, $0x0;
	_ =	strace $0x90000047  }
0xa1: {  	s0 =	sadd.s32 @!p0 $0x100000, s1;
	[bflag:$0x2] =	sbarrier.arrive $0xFFFF  }
0xa2: {  	[sflag:s0] =	ssyncadd.tile.s32 @!p0 $0x1;
	_ =	shalt  }
.Lfunc_end2:
_tile_overlayer_lowered:
.L_overlay_start_2:
0xa3: {  	(tag) =	ssettag $0x2  }
0xa4: {  	s0 =	rddreg [dreg:$0x0];
	s2 =	stileid.u32  }
0xa5: {  	s1 =	rddreg [dreg:$0x1];
	p0 =	sne.s32 s2, $0x0  }
0xa6: {  	s3 =	rddreg [dreg:$0x2];
	[bflag:$0x3] =	sbarrier.arrive $0xFFFF;
	s2 =	simm.s32 @!p0 $0x1C01  }
0xa7: {  	[timem:s3], [sflag:s2] =	dma.local @!p0 [hbm:s0], s1  }
0xa8: {  	s0 =	simm.s32 @!p0 $0x1  }
0xa9: {  	_ =	swait.ge @!p0 [sflag:s0], s1  }
0xaa: {  	s1 =	ssub.s32 @!p0 $0x0, s1;
	[sflag:s0] =	ssyncset.done @!p0 $0x0  }
0xab: {  	[sflag:s0] =	ssyncadd.s32 @!p0 s1  }
0xac: {  	[bflag:$0x3] =	sbarrier.arrive $0xFFFF  }
0xad: {  	_ =	shalt  }

</sc_bundles>
